<compile_context>
chip_gen: v7x
topology: tpu7x:2x2x1
jax: 0.10.2.dev20260603
libtpu: 0.0.44.dev20260713+nightly
codegen_flags: <defaults>
</compile_context>

<pallas_src>
import functools

import jax
import jax.numpy as jnp
from jax import lax
from jax.experimental import pallas as pl
from jax.experimental.pallas import tpu as pltpu
from jax.experimental.pallas import tpu_sc as plsc

STATE = 10
KM_ITERS = 10
TOPK = 3
PAD = 16
EPS = 1e-12
_HI = jax.lax.Precision.HIGHEST


def _split3(x):
    hi = x.astype(jnp.bfloat16)
    r1 = x - hi.astype(jnp.float32)
    mid = r1.astype(jnp.bfloat16)
    lo = (r1 - mid.astype(jnp.float32)).astype(jnp.bfloat16)
    return hi, mid, lo


def _tc_body(len_ref, feat_ref, lab_ref, out_ref):
    i = pl.program_id(0)
    L = len_ref[i]
    dlg = feat_ref[0]
    lab = lab_ref[0]
    T = dlg.shape[0]

    row_ids = lax.broadcasted_iota(jnp.int32, (T, 1), 0)
    valid = row_ids < L
    col16 = lax.broadcasted_iota(jnp.int32, (1, PAD), 1)
    colf16 = col16.astype(jnp.float32)
    ones_col = jnp.ones((T, 1), jnp.bfloat16)
    ones_row = jnp.ones((1, dlg.shape[1]), jnp.float32)
    inf = jnp.float32(jnp.inf)

    dhi, dmid, dlo = _split3(dlg)

    def mmT(a, b):
        return lax.dot_general(a, b, (((0,), (0,)), ((), ())),
                               preferred_element_type=jnp.float32)

    def mm(a, b):
        return lax.dot_general(a, b, (((1,), (1,)), ((), ())),
                               preferred_element_type=jnp.float32)

    def seg_mean(oh):
        ohb = oh.astype(jnp.bfloat16)
        sums = mmT(ohb, dhi) + mmT(ohb, dmid) + mmT(ohb, dlo)
        cnts = mmT(ohb, ones_col)
        return sums / jnp.maximum(cnts, 1.0)

    oh_l = jnp.where((lab == col16) & valid, 1.0, 0.0)
    protos = seg_mean(oh_l)

    def km_iter(_, centers):
        chi, cmid, clo = _split3(centers)
        xc = (mm(dhi, chi) + mm(dhi, cmid) + mm(dmid, chi)
              + mm(dhi, clo) + mm(dlo, chi) + mm(dmid, cmid))
        csq = centers * centers
        cc = lax.dot_general(ones_row, csq, (((1,), (1,)), ((), ())),
                             precision=_HI)
        d2 = jnp.where(col16 < STATE, cc - 2.0 * xc, inf)
        dmin = jnp.min(d2, axis=1, keepdims=True)
        idxmin = jnp.min(jnp.where(d2 <= dmin, colf16, 16.0), axis=1,
                         keepdims=True)
        oh = jnp.where((colf16 == idxmin) & valid, 1.0, 0.0)
        return seg_mean(oh)

    centers = lax.fori_loop(0, KM_ITERS, km_iter, dlg[0:PAD, :])

    cols = []
    for j in range(STATE):
        diff = protos - centers[j:j + 1, :]
        cols.append(jnp.sum(diff * diff, axis=1, keepdims=True))
    cols.append(jnp.zeros((PAD, PAD - STATE), jnp.float32))
    d2m = jnp.concatenate(cols, axis=1)
    out_ref[0] = jnp.sqrt(d2m + EPS)


def _tc_distances(features, lengths, labels3):
    B, T, D = features.shape
    return pl.pallas_call(
        _tc_body,
        grid_spec=pltpu.PrefetchScalarGridSpec(
            num_scalar_prefetch=1,
            grid=(B,),
            in_specs=[
                pl.BlockSpec((1, T, D), lambda i, s: (i, 0, 0)),
                pl.BlockSpec((1, T, 1), lambda i, s: (i, 0, 0)),
            ],
            out_specs=pl.BlockSpec((1, PAD, PAD), lambda i, s: (i, 0, 0)),
        ),
        out_shape=jax.ShapeDtypeStruct((B, PAD, PAD), jnp.float32),
    )(lengths, features, labels3)


def _make_sc_match(B):
    mesh = plsc.VectorSubcoreMesh(core_axis_name="c", subcore_axis_name="s")

    @functools.partial(
        pl.kernel,
        out_type=jax.ShapeDtypeStruct((B, PAD), jnp.float32),
        mesh=mesh,
        scratch_types=[
            pltpu.VMEM((PAD, PAD), jnp.float32),
            pltpu.VMEM((PAD,), jnp.float32),
            pltpu.SMEM((PAD * PAD,), jnp.float32),
            pltpu.SMEM((PAD * PAD,), jnp.int32),
            pltpu.SMEM((PAD,), jnp.int32),
            pltpu.SMEM((PAD,), jnp.int32),
            pltpu.SMEM((PAD,), jnp.int32),
            pltpu.SMEM((PAD,), jnp.int32),
            pltpu.SMEM((PAD,), jnp.int32),
        ],
    )
    def sc_match(dist_hbm, out_hbm, dist_v, row_v, dist_s, adj_s, p_s, vis_s,
                 node_s, jptr_s, choice_s):
        cid = lax.axis_index("c")
        sid = lax.axis_index("s")

        @pl.when((cid == 0) & (sid < B))
        def _():
            i = sid
            pltpu.sync_copy(dist_hbm.at[i], dist_v)
            lanev = lax.iota(jnp.int32, PAD)
            ninf = jnp.float32(-jnp.inf)

            for r in range(STATE):
                rowr = dist_v[r]
                for c in range(STATE):
                    dist_s[r * PAD + c] = rowr[c]

            def initc(c, _):
                p_s[c] = 0
                choice_s[c] = 0
                return 0

            lax.fori_loop(0, PAD, initc, 0)

            def rowfn(r, _):
                def clearc(c, _):
                    adj_s[r * PAD + c] = 0
                    return 0

                lax.fori_loop(0, PAD, clearc, 0)

                def kpass(k, _):
                    def cscan(c, bst):
                        bv, bi = bst
                        v = dist_s[r * PAD + c]
                        better = (adj_s[r * PAD + c] == 0) & (v > bv)
                        return (jnp.where(better, v, bv),
                                jnp.where(better, c, bi))

                    _, bi = lax.fori_loop(
                        0, STATE, cscan, (ninf, jnp.int32(0)))
                    adj_s[r * PAD + bi] = 1
                    return 0

                lax.fori_loop(0, TOPK, kpass, 0)
                return 0

            lax.fori_loop(0, STATE, rowfn, 0)

            def outer(i1, cnt):
                def clearv(c, _):
                    vis_s[c] = 0
                    return 0

                lax.fori_loop(0, PAD, clearv, 0)
                node_s[0] = i1
                jptr_s[0] = 0

                def step(t, st):
                    def dead():
                        return st

                    def live():
                        return _dfs_step(st)

                    return lax.cond(st[1], dead, live)

                def _dfs_step(st):
                    depth, done, succ = st
                    ii = node_s[depth]
                    j = jptr_s[depth]
                    exhausted = j >= STATE
                    jc = jnp.minimum(j, STATE - 1)
                    adjv = adj_s[(ii - 1) * PAD + jc] != 0
                    can = adjv & (vis_s[jc] == 0) & jnp.logical_not(exhausted)
                    pjc = p_s[jc]
                    free = can & (pjc == 0)
                    descend = can & (pjc != 0)
                    skip = jnp.logical_not(can) & jnp.logical_not(exhausted)
                    vis_s[jc] = jnp.where(can, 1, vis_s[jc])
                    choice_s[depth] = jnp.where(can, jc, choice_s[depth])

                    def unwind(d, _):
                        pred = free & (d <= depth)
                        idx = choice_s[d]
                        p_s[idx] = jnp.where(pred, node_s[d], p_s[idx])
                        return 0

                    lax.fori_loop(0, STATE, unwind, 0)
                    jptr_s[depth] = jnp.where(skip | descend, jc + 1, j)
                    dp1 = depth + 1
                    node_s[dp1] = jnp.where(descend, pjc, node_s[dp1])
                    jptr_s[dp1] = jnp.where(descend, 0, jptr_s[dp1])
                    depth2 = (depth + jnp.where(descend, 1, 0)
                              - jnp.where(exhausted, 1, 0))
                    done2 = done | free | (exhausted & (depth == 0))
                    return (depth2, done2, succ | free)

                st = lax.fori_loop(
                    0, 128, step,
                    (jnp.int32(0), jnp.bool_(False), jnp.bool_(False)))
                return cnt + st[2].astype(jnp.int32)

            cnt = lax.fori_loop(1, STATE + 1, outer, jnp.int32(0))

            def jloop(j, acc):
                pj = p_s[j]
                idx = jnp.maximum(pj - 1, 0)
                v = dist_s[idx * PAD + j]
                return acc + jnp.where(pj > 0, v, jnp.float32(0.0))

            loss = lax.fori_loop(0, STATE, jloop, jnp.float32(0.0))
            cntf = jnp.maximum(cnt, 1).astype(jnp.float32)
            row_v[...] = jnp.where(lanev == 0, loss,
                                   jnp.where(lanev == 1, cntf,
                                             jnp.float32(0.0)))
            pltpu.sync_copy(row_v, out_hbm.at[i])

    return sc_match


def kernel(features, dialogue_lengths, labels):
    B, T, D = features.shape
    lengths = dialogue_lengths.astype(jnp.int32)
    labels3 = labels.astype(jnp.int32).reshape(B, T, 1)
    dist = _tc_distances(features, lengths, labels3)
    out = _make_sc_match(B)(dist)
    return jnp.mean(out[:, 0] / out[:, 1])

# --- scband reference (transcript-rebuilt; emitter-appended) ---
"""Pipeline reference for scband-prototype-kmeans-divergence-50560355009195 (READ-ONLY COPY).

The authoritative reference and input builder live on the scoring server;
editing this copy changes nothing except your own understanding.
"""

import jax, jax.numpy as jnp
import numpy as np

STATE_NUM = 10
KMEANS_ITERS = 10
TOPK = 3
B, T, D = 16, 2048, 256
EPS = 1e-12


def setup_inputs(seed: int = 0):
    key = jax.random.key(seed)
    k1, k2, k3 = jax.random.split(key, 3)
    features = jax.random.normal(k1, (B, T, D), dtype=jnp.float32)
    dialogue_lengths = jax.random.randint(k2, (B,), T // 2, T + 1, dtype=jnp.int32)
    labels = jax.random.randint(k3, (B, T), 0, STATE_NUM, dtype=jnp.int64)
    return {"features": features, "dialogue_lengths": dialogue_lengths, "labels": labels}


def _prototypes(dlg, dlabels, valid):
    # mean feature per label (segment mean via one-hot scatter)
    oh = ((dlabels[:, None] == jnp.arange(STATE_NUM)[None, :]) & valid[:, None]).astype(dlg.dtype)
    sums = oh.T @ dlg
    cnts = jnp.clip(oh.sum(axis=0), 1.0, None)[:, None]
    return sums / cnts


def _kmeans_centers(dlg, valid):
    centers = dlg[:STATE_NUM]
    validf = valid.astype(dlg.dtype)
    for _ in range(KMEANS_ITERS):
        d2 = ((dlg[:, None, :] - centers[None, :, :]) ** 2).sum(-1)
        d2 = jnp.where(valid[:, None], d2, jnp.inf)
        assign = jnp.argmin(d2, axis=1)
        oh = jax.nn.one_hot(assign, STATE_NUM, dtype=dlg.dtype) * validf[:, None]
        sums = oh.T @ dlg
        cnts = jnp.clip(oh.sum(axis=0), 1.0, None)[:, None]
        centers = sums / cnts
    return centers


def _try_match(adj, i0, p):
    # iterative DFS with an explicit stack, visiting columns in ascending order
    # exactly as the recursive try_match does (vis shared across the whole search)
    N = adj.shape[1]
    node0 = jnp.zeros((N,), jnp.int32).at[0].set(i0)
    jptr0 = jnp.zeros((N,), jnp.int32)
    choice0 = jnp.zeros((N,), jnp.int32)
    vis0 = jnp.zeros((N,), bool)
    d_arr = jnp.arange(N)

    def cond(s):
        return ~s[7]

    def body(s):
        p, vis, node, jptr, choice, depth, succ, done = s
        i = node[depth]
        j = jptr[depth]
        exhausted = j >= N
        jc = jnp.minimum(j, N - 1)
        can = adj[i - 1, jc] & ~vis[jc] & ~exhausted
        free = can & (p[jc] == 0)
        descend = can & (p[jc] != 0)
        skip = ~can & ~exhausted

        vis2 = vis.at[jc].set(vis[jc] | can)
        choice2 = choice.at[depth].set(jnp.where(can, jc, choice[depth]))

        # on success, set p[choice[d]] = node[d] along the whole augmenting path
        unwind = free & (d_arr <= depth)
        p2 = p.at[jnp.where(unwind, choice2, N)].set(node, mode="drop")

        jptr2 = jptr.at[depth].set(jnp.where(skip | descend, jc + 1, jptr[depth]))
        dp1 = depth + 1
        node2 = node.at[jnp.where(descend, dp1, N)].set(p[jc], mode="drop")
        jptr3 = jptr2.at[jnp.where(descend, dp1, N)].set(0, mode="drop")

        depth2 = depth + jnp.where(descend, 1, 0) - jnp.where(exhausted, 1, 0)
        done2 = done | free | (exhausted & (depth == 0))
        succ2 = succ | free
        return (p2, vis2, node2, jptr3, choice2, depth2, succ2, done2)

    state = (p, vis0, node0, jptr0, choice0, jnp.int32(0), jnp.bool_(False), jnp.bool_(False))
    p_out = jax.lax.while_loop(cond, body, state)
    return p_out[0], p_out[6]


def _kuhn(adj):
    # Kuhn augmenting-path bipartite matching (1-indexed prototypes, matching original p/vis logic)
    M, N = adj.shape
    p = jnp.zeros((N,), jnp.int32)
    cnt = jnp.int32(0)
    for i in range(1, M + 1):
        p, ok = _try_match(adj, jnp.int32(i), p)
        cnt = cnt + ok.astype(jnp.int32)
    return p, cnt


def _match_dialogue(protos, centers):
    dist = jnp.sqrt(((protos[:, None, :] - centers[None, :, :]) ** 2).sum(-1) + EPS)
    # original uses torch.topk (largest) on the distance matrix -> kept faithful via lax.top_k
    top_idx = jax.lax.top_k(dist, TOPK)[1]
    adj = jnp.zeros((STATE_NUM, STATE_NUM), dtype=bool)
    adj = adj.at[jnp.arange(STATE_NUM)[:, None], top_idx].set(True)
    return _kuhn(adj)


def reference(features, dialogue_lengths, labels):
    results = []
    for i in range(B):
        L = dialogue_lengths[i]
        valid = jnp.arange(T) < L
        dlg = features[i]
        protos = _prototypes(dlg, labels[i], valid)
        centers = _kmeans_centers(dlg, valid)
        p, cnt = _match_dialogue(protos, centers)
        loss = jnp.asarray(0.0, dtype=jnp.float32)
        for j in range(STATE_NUM):
            idx = jnp.maximum(p[j] - 1, 0)
            term = jnp.sqrt(((protos[idx] - centers[j]) ** 2).sum() + EPS)
            loss = loss + jnp.where(p[j] > 0, term, jnp.float32(0.0))
        loss = loss / jnp.maximum(cnt, 1)
        results.append(loss)
    return jnp.stack(results).mean()

if __name__ == "__main__":
    import jax
    _d = setup_inputs()
    print(jax.jit(kernel)(*tuple(_d.values())))

</pallas_src>

<mosaic_0001>
#map = affine_map<(d0, d1) -> (0, 0, 0)>
#map1 = affine_map<(d0, d1) -> (0, 0)>
module attributes {stable_mosaic.version = 14 : i64} {
  func.func @sc_match(%arg0: i32, %arg1: i32, %arg2: memref<16x16x16xf32, #tpu.memory_space<hbm>>, %arg3: memref<16x16xf32, #tpu.memory_space<hbm>>, %arg4: memref<16x16xf32, #tpu.memory_space<vmem>>, %arg5: memref<16xf32, #tpu.memory_space<vmem>>, %arg6: memref<256xf32, #tpu.memory_space<smem>>, %arg7: memref<256xi32, #tpu.memory_space<smem>>, %arg8: memref<16xi32, #tpu.memory_space<smem>>, %arg9: memref<16xi32, #tpu.memory_space<smem>>, %arg10: memref<16xi32, #tpu.memory_space<smem>>, %arg11: memref<16xi32, #tpu.memory_space<smem>>, %arg12: memref<16xi32, #tpu.memory_space<smem>>) attributes {dimension_semantics = [#tpu.dimension_semantics<core_parallel>, #tpu.dimension_semantics<subcore_parallel>], iteration_bounds = array<i64: 2, 16>, scalar_prefetch = 0 : i64, scratch_operands = 9 : i64, tpu.core_type = #tpu.core_type<sc_vector_subcore>, window_params = [{transform_indices = #map}, {transform_indices = #map1}]} {
    %eq3A = arith.constant 0 : i32
    %eq3A_0 = arith.cmpi eq, %arg0, %eq3A : i32
    %lt3A = arith.constant 16 : i32
    %lt3A_1 = arith.cmpi slt, %arg1, %lt3A : i32
    %and3A = arith.andi %eq3A_0, %lt3A_1 : i1
    %convert_element_type3A = arith.extui %and3A : i1 to i32
    %cond3A = arith.constant 0 : i32
    %cond3A_2 = arith.cmpi ne, %convert_element_type3A, %cond3A : i32
    scf.if %cond3A_2 {
      "tpu.region"() ({
        %run_scoped3A = tpu.sem_alloc : memref<!tpu.dma_semaphore, #tpu.memory_space<semaphore_mem>>
        %dma_start3A = arith.constant 0 : i32
        %dma_start3A_592 = arith.constant 0 : i32
        %dma_start3A_593 = tpu.memref_slice %arg2[%arg1, %dma_start3A, %dma_start3A_592] : memref<16x16x16xf32, #tpu.memory_space<hbm>> -> memref<1x16x16xf32, #tpu.memory_space<hbm>>
        %dma_start3A_594 = tpu.memref_squeeze %dma_start3A_593 : memref<1x16x16xf32, #tpu.memory_space<hbm>> -> memref<16x16xf32, #tpu.memory_space<hbm>>
        %dma_start3A_595 = arith.constant 0 : i32
        %dma_start3A_596 = arith.constant 0 : i32
        %dma_start3A_597 = tpu.memref_slice %arg2[%arg1, %dma_start3A_595, %dma_start3A_596] : memref<16x16x16xf32, #tpu.memory_space<hbm>> -> memref<1x16x16xf32, #tpu.memory_space<hbm>>
        %dma_start3A_598 = tpu.memref_squeeze %dma_start3A_597 : memref<1x16x16xf32, #tpu.memory_space<hbm>> -> memref<16x16xf32, #tpu.memory_space<hbm>>
        tpu.enqueue_dma source(%dma_start3A_598 : memref<16x16xf32, #tpu.memory_space<hbm>>) target(%arg4 : memref<16x16xf32, #tpu.memory_space<vmem>>) target_semaphore(%run_scoped3A : memref<!tpu.dma_semaphore, #tpu.memory_space<semaphore_mem>>)
        %dma_wait3A = arith.constant 0 : i32
        %dma_wait3A_599 = arith.constant 0 : i32
        %dma_wait3A_600 = tpu.memref_slice %arg2[%arg1, %dma_wait3A, %dma_wait3A_599] : memref<16x16x16xf32, #tpu.memory_space<hbm>> -> memref<1x16x16xf32, #tpu.memory_space<hbm>>
        %dma_wait3A_601 = tpu.memref_squeeze %dma_wait3A_600 : memref<1x16x16xf32, #tpu.memory_space<hbm>> -> memref<16x16xf32, #tpu.memory_space<hbm>>
        %dma_wait3A_602 = arith.constant 0 : i32
        %dma_wait3A_603 = arith.constant 0 : i32
        %dma_wait3A_604 = tpu.memref_slice %arg2[%arg1, %dma_wait3A_602, %dma_wait3A_603] : memref<16x16x16xf32, #tpu.memory_space<hbm>> -> memref<1x16x16xf32, #tpu.memory_space<hbm>>
        %dma_wait3A_605 = tpu.memref_squeeze %dma_wait3A_604 : memref<1x16x16xf32, #tpu.memory_space<hbm>> -> memref<16x16xf32, #tpu.memory_space<hbm>>
        tpu.wait_dma2 semaphore(%run_scoped3A : memref<!tpu.dma_semaphore, #tpu.memory_space<semaphore_mem>>) src(%dma_wait3A_605 : memref<16x16xf32, #tpu.memory_space<hbm>>) dst(%arg4 : memref<16x16xf32, #tpu.memory_space<vmem>>)
        tpu.yield
      }) : () -> ()
      %iota3A = tpu.iota {dimensions = array<i32: 0>} : vector<16xi32>
      %get3A = arith.constant 0 : i32
      %get3A_3 = arith.index_cast %get3A : i32 to index
      %get3A_4 = arith.constant 0 : index
      %get3A_5 = tpu.vector_load %arg4[%get3A_3, %get3A_4] {strides = array<i32>} : memref<16x16xf32, #tpu.memory_space<vmem>>, vector<1x16xf32>,
      %get3A_6 = vector.shape_cast %get3A_5 : vector<1x16xf32> to vector<16xf32>
      %slice3A = vector.extract_strided_slice %get3A_6 {offsets = [0], sizes = [1], strides = [1]} : vector<16xf32> to vector<1xf32>
      %squeeze3A = vector.extract %slice3A[0] : f32 from vector<1xf32>
      %swap3A = arith.constant 0 : i32
      %swap3A_7 = arith.index_cast %swap3A : i32 to index
      %swap3A_8 = memref.load %arg6[%swap3A_7] : memref<256xf32, #tpu.memory_space<smem>>
      memref.store %squeeze3A, %arg6[%swap3A_7] : memref<256xf32, #tpu.memory_space<smem>>
      %slice3A_9 = vector.extract_strided_slice %get3A_6 {offsets = [1], sizes = [1], strides = [1]} : vector<16xf32> to vector<1xf32>
      %squeeze3A_10 = vector.extract %slice3A_9[0] : f32 from vector<1xf32>
      %swap3A_11 = arith.constant 1 : i32
      %swap3A_12 = arith.index_cast %swap3A_11 : i32 to index
      %swap3A_13 = memref.load %arg6[%swap3A_12] : memref<256xf32, #tpu.memory_space<smem>>
      memref.store %squeeze3A_10, %arg6[%swap3A_12] : memref<256xf32, #tpu.memory_space<smem>>
      %slice3A_14 = vector.extract_strided_slice %get3A_6 {offsets = [2], sizes = [1], strides = [1]} : vector<16xf32> to vector<1xf32>
      %squeeze3A_15 = vector.extract %slice3A_14[0] : f32 from vector<1xf32>
      %swap3A_16 = arith.constant 2 : i32
      %swap3A_17 = arith.index_cast %swap3A_16 : i32 to index
      %swap3A_18 = memref.load %arg6[%swap3A_17] : memref<256xf32, #tpu.memory_space<smem>>
      memref.store %squeeze3A_15, %arg6[%swap3A_17] : memref<256xf32, #tpu.memory_space<smem>>
      %slice3A_19 = vector.extract_strided_slice %get3A_6 {offsets = [3], sizes = [1], strides = [1]} : vector<16xf32> to vector<1xf32>
      %squeeze3A_20 = vector.extract %slice3A_19[0] : f32 from vector<1xf32>
      %swap3A_21 = arith.constant 3 : i32
      %swap3A_22 = arith.index_cast %swap3A_21 : i32 to index
      %swap3A_23 = memref.load %arg6[%swap3A_22] : memref<256xf32, #tpu.memory_space<smem>>
      memref.store %squeeze3A_20, %arg6[%swap3A_22] : memref<256xf32, #tpu.memory_space<smem>>
      %slice3A_24 = vector.extract_strided_slice %get3A_6 {offsets = [4], sizes = [1], strides = [1]} : vector<16xf32> to vector<1xf32>
      %squeeze3A_25 = vector.extract %slice3A_24[0] : f32 from vector<1xf32>
      %swap3A_26 = arith.constant 4 : i32
      %swap3A_27 = arith.index_cast %swap3A_26 : i32 to index
      %swap3A_28 = memref.load %arg6[%swap3A_27] : memref<256xf32, #tpu.memory_space<smem>>
      memref.store %squeeze3A_25, %arg6[%swap3A_27] : memref<256xf32, #tpu.memory_space<smem>>
      %slice3A_29 = vector.extract_strided_slice %get3A_6 {offsets = [5], sizes = [1], strides = [1]} : vector<16xf32> to vector<1xf32>
      %squeeze3A_30 = vector.extract %slice3A_29[0] : f32 from vector<1xf32>
      %swap3A_31 = arith.constant 5 : i32
      %swap3A_32 = arith.index_cast %swap3A_31 : i32 to index
      %swap3A_33 = memref.load %arg6[%swap3A_32] : memref<256xf32, #tpu.memory_space<smem>>
      memref.store %squeeze3A_30, %arg6[%swap3A_32] : memref<256xf32, #tpu.memory_space<smem>>
      %slice3A_34 = vector.extract_strided_slice %get3A_6 {offsets = [6], sizes = [1], strides = [1]} : vector<16xf32> to vector<1xf32>
      %squeeze3A_35 = vector.extract %slice3A_34[0] : f32 from vector<1xf32>
      %swap3A_36 = arith.constant 6 : i32
      %swap3A_37 = arith.index_cast %swap3A_36 : i32 to index
      %swap3A_38 = memref.load %arg6[%swap3A_37] : memref<256xf32, #tpu.memory_space<smem>>
      memref.store %squeeze3A_35, %arg6[%swap3A_37] : memref<256xf32, #tpu.memory_space<smem>>
      %slice3A_39 = vector.extract_strided_slice %get3A_6 {offsets = [7], sizes = [1], strides = [1]} : vector<16xf32> to vector<1xf32>
      %squeeze3A_40 = vector.extract %slice3A_39[0] : f32 from vector<1xf32>
      %swap3A_41 = arith.constant 7 : i32
      %swap3A_42 = arith.index_cast %swap3A_41 : i32 to index
      %swap3A_43 = memref.load %arg6[%swap3A_42] : memref<256xf32, #tpu.memory_space<smem>>
      memref.store %squeeze3A_40, %arg6[%swap3A_42] : memref<256xf32, #tpu.memory_space<smem>>
      %slice3A_44 = vector.extract_strided_slice %get3A_6 {offsets = [8], sizes = [1], strides = [1]} : vector<16xf32> to vector<1xf32>
      %squeeze3A_45 = vector.extract %slice3A_44[0] : f32 from vector<1xf32>
      %swap3A_46 = arith.constant 8 : i32
      %swap3A_47 = arith.index_cast %swap3A_46 : i32 to index
      %swap3A_48 = memref.load %arg6[%swap3A_47] : memref<256xf32, #tpu.memory_space<smem>>
      memref.store %squeeze3A_45, %arg6[%swap3A_47] : memref<256xf32, #tpu.memory_space<smem>>
      %slice3A_49 = vector.extract_strided_slice %get3A_6 {offsets = [9], sizes = [1], strides = [1]} : vector<16xf32> to vector<1xf32>
      %squeeze3A_50 = vector.extract %slice3A_49[0] : f32 from vector<1xf32>
      %swap3A_51 = arith.constant 9 : i32
      %swap3A_52 = arith.index_cast %swap3A_51 : i32 to index
      %swap3A_53 = memref.load %arg6[%swap3A_52] : memref<256xf32, #tpu.memory_space<smem>>
      memref.store %squeeze3A_50, %arg6[%swap3A_52] : memref<256xf32, #tpu.memory_space<smem>>
      %get3A_54 = arith.constant 1 : i32
      %get3A_55 = arith.index_cast %get3A_54 : i32 to index
      %get3A_56 = arith.constant 0 : index
      %get3A_57 = tpu.vector_load %arg4[%get3A_55, %get3A_56] {strides = array<i32>} : memref<16x16xf32, #tpu.memory_space<vmem>>, vector<1x16xf32>,
      %get3A_58 = vector.shape_cast %get3A_57 : vector<1x16xf32> to vector<16xf32>
      %slice3A_59 = vector.extract_strided_slice %get3A_58 {offsets = [0], sizes = [1], strides = [1]} : vector<16xf32> to vector<1xf32>
      %squeeze3A_60 = vector.extract %slice3A_59[0] : f32 from vector<1xf32>
      %swap3A_61 = arith.constant 16 : i32
      %swap3A_62 = arith.index_cast %swap3A_61 : i32 to index
      %swap3A_63 = memref.load %arg6[%swap3A_62] : memref<256xf32, #tpu.memory_space<smem>>
      memref.store %squeeze3A_60, %arg6[%swap3A_62] : memref<256xf32, #tpu.memory_space<smem>>
      %slice3A_64 = vector.extract_strided_slice %get3A_58 {offsets = [1], sizes = [1], strides = [1]} : vector<16xf32> to vector<1xf32>
      %squeeze3A_65 = vector.extract %slice3A_64[0] : f32 from vector<1xf32>
      %swap3A_66 = arith.constant 17 : i32
      %swap3A_67 = arith.index_cast %swap3A_66 : i32 to index
      %swap3A_68 = memref.load %arg6[%swap3A_67] : memref<256xf32, #tpu.memory_space<smem>>
      memref.store %squeeze3A_65, %arg6[%swap3A_67] : memref<256xf32, #tpu.memory_space<smem>>
      %slice3A_69 = vector.extract_strided_slice %get3A_58 {offsets = [2], sizes = [1], strides = [1]} : vector<16xf32> to vector<1xf32>
      %squeeze3A_70 = vector.extract %slice3A_69[0] : f32 from vector<1xf32>
      %swap3A_71 = arith.constant 18 : i32
      %swap3A_72 = arith.index_cast %swap3A_71 : i32 to index
      %swap3A_73 = memref.load %arg6[%swap3A_72] : memref<256xf32, #tpu.memory_space<smem>>
      memref.store %squeeze3A_70, %arg6[%swap3A_72] : memref<256xf32, #tpu.memory_space<smem>>
      %slice3A_74 = vector.extract_strided_slice %get3A_58 {offsets = [3], sizes = [1], strides = [1]} : vector<16xf32> to vector<1xf32>
      %squeeze3A_75 = vector.extract %slice3A_74[0] : f32 from vector<1xf32>
      %swap3A_76 = arith.constant 19 : i32
      %swap3A_77 = arith.index_cast %swap3A_76 : i32 to index
      %swap3A_78 = memref.load %arg6[%swap3A_77] : memref<256xf32, #tpu.memory_space<smem>>
      memref.store %squeeze3A_75, %arg6[%swap3A_77] : memref<256xf32, #tpu.memory_space<smem>>
      %slice3A_79 = vector.extract_strided_slice %get3A_58 {offsets = [4], sizes = [1], strides = [1]} : vector<16xf32> to vector<1xf32>
      %squeeze3A_80 = vector.extract %slice3A_79[0] : f32 from vector<1xf32>
      %swap3A_81 = arith.constant 20 : i32
      %swap3A_82 = arith.index_cast %swap3A_81 : i32 to index
      %swap3A_83 = memref.load %arg6[%swap3A_82] : memref<256xf32, #tpu.memory_space<smem>>
      memref.store %squeeze3A_80, %arg6[%swap3A_82] : memref<256xf32, #tpu.memory_space<smem>>
      %slice3A_84 = vector.extract_strided_slice %get3A_58 {offsets = [5], sizes = [1], strides = [1]} : vector<16xf32> to vector<1xf32>
      %squeeze3A_85 = vector.extract %slice3A_84[0] : f32 from vector<1xf32>
      %swap3A_86 = arith.constant 21 : i32
      %swap3A_87 = arith.index_cast %swap3A_86 : i32 to index
      %swap3A_88 = memref.load %arg6[%swap3A_87] : memref<256xf32, #tpu.memory_space<smem>>
      memref.store %squeeze3A_85, %arg6[%swap3A_87] : memref<256xf32, #tpu.memory_space<smem>>
      %slice3A_89 = vector.extract_strided_slice %get3A_58 {offsets = [6], sizes = [1], strides = [1]} : vector<16xf32> to vector<1xf32>
      %squeeze3A_90 = vector.extract %slice3A_89[0] : f32 from vector<1xf32>
      %swap3A_91 = arith.constant 22 : i32
      %swap3A_92 = arith.index_cast %swap3A_91 : i32 to index
      %swap3A_93 = memref.load %arg6[%swap3A_92] : memref<256xf32, #tpu.memory_space<smem>>
      memref.store %squeeze3A_90, %arg6[%swap3A_92] : memref<256xf32, #tpu.memory_space<smem>>
      %slice3A_94 = vector.extract_strided_slice %get3A_58 {offsets = [7], sizes = [1], strides = [1]} : vector<16xf32> to vector<1xf32>
      %squeeze3A_95 = vector.extract %slice3A_94[0] : f32 from vector<1xf32>
      %swap3A_96 = arith.constant 23 : i32
      %swap3A_97 = arith.index_cast %swap3A_96 : i32 to index
      %swap3A_98 = memref.load %arg6[%swap3A_97] : memref<256xf32, #tpu.memory_space<smem>>
      memref.store %squeeze3A_95, %arg6[%swap3A_97] : memref<256xf32, #tpu.memory_space<smem>>
      %slice3A_99 = vector.extract_strided_slice %get3A_58 {offsets = [8], sizes = [1], strides = [1]} : vector<16xf32> to vector<1xf32>
      %squeeze3A_100 = vector.extract %slice3A_99[0] : f32 from vector<1xf32>
      %swap3A_101 = arith.constant 24 : i32
      %swap3A_102 = arith.index_cast %swap3A_101 : i32 to index
      %swap3A_103 = memref.load %arg6[%swap3A_102] : memref<256xf32, #tpu.memory_space<smem>>
      memref.store %squeeze3A_100, %arg6[%swap3A_102] : memref<256xf32, #tpu.memory_space<smem>>
      %slice3A_104 = vector.extract_strided_slice %get3A_58 {offsets = [9], sizes = [1], strides = [1]} : vector<16xf32> to vector<1xf32>
      %squeeze3A_105 = vector.extract %slice3A_104[0] : f32 from vector<1xf32>
      %swap3A_106 = arith.constant 25 : i32
      %swap3A_107 = arith.index_cast %swap3A_106 : i32 to index
      %swap3A_108 = memref.load %arg6[%swap3A_107] : memref<256xf32, #tpu.memory_space<smem>>
      memref.store %squeeze3A_105, %arg6[%swap3A_107] : memref<256xf32, #tpu.memory_space<smem>>
      %get3A_109 = arith.constant 2 : i32
      %get3A_110 = arith.index_cast %get3A_109 : i32 to index
      %get3A_111 = arith.constant 0 : index
      %get3A_112 = tpu.vector_load %arg4[%get3A_110, %get3A_111] {strides = array<i32>} : memref<16x16xf32, #tpu.memory_space<vmem>>, vector<1x16xf32>,
      %get3A_113 = vector.shape_cast %get3A_112 : vector<1x16xf32> to vector<16xf32>
      %slice3A_114 = vector.extract_strided_slice %get3A_113 {offsets = [0], sizes = [1], strides = [1]} : vector<16xf32> to vector<1xf32>
      %squeeze3A_115 = vector.extract %slice3A_114[0] : f32 from vector<1xf32>
      %swap3A_116 = arith.constant 32 : i32
      %swap3A_117 = arith.index_cast %swap3A_116 : i32 to index
      %swap3A_118 = memref.load %arg6[%swap3A_117] : memref<256xf32, #tpu.memory_space<smem>>
      memref.store %squeeze3A_115, %arg6[%swap3A_117] : memref<256xf32, #tpu.memory_space<smem>>
      %slice3A_119 = vector.extract_strided_slice %get3A_113 {offsets = [1], sizes = [1], strides = [1]} : vector<16xf32> to vector<1xf32>
      %squeeze3A_120 = vector.extract %slice3A_119[0] : f32 from vector<1xf32>
      %swap3A_121 = arith.constant 33 : i32
      %swap3A_122 = arith.index_cast %swap3A_121 : i32 to index
      %swap3A_123 = memref.load %arg6[%swap3A_122] : memref<256xf32, #tpu.memory_space<smem>>
      memref.store %squeeze3A_120, %arg6[%swap3A_122] : memref<256xf32, #tpu.memory_space<smem>>
      %slice3A_124 = vector.extract_strided_slice %get3A_113 {offsets = [2], sizes = [1], strides = [1]} : vector<16xf32> to vector<1xf32>
      %squeeze3A_125 = vector.extract %slice3A_124[0] : f32 from vector<1xf32>
      %swap3A_126 = arith.constant 34 : i32
      %swap3A_127 = arith.index_cast %swap3A_126 : i32 to index
      %swap3A_128 = memref.load %arg6[%swap3A_127] : memref<256xf32, #tpu.memory_space<smem>>
      memref.store %squeeze3A_125, %arg6[%swap3A_127] : memref<256xf32, #tpu.memory_space<smem>>
      %slice3A_129 = vector.extract_strided_slice %get3A_113 {offsets = [3], sizes = [1], strides = [1]} : vector<16xf32> to vector<1xf32>
      %squeeze3A_130 = vector.extract %slice3A_129[0] : f32 from vector<1xf32>
      %swap3A_131 = arith.constant 35 : i32
      %swap3A_132 = arith.index_cast %swap3A_131 : i32 to index
      %swap3A_133 = memref.load %arg6[%swap3A_132] : memref<256xf32, #tpu.memory_space<smem>>
      memref.store %squeeze3A_130, %arg6[%swap3A_132] : memref<256xf32, #tpu.memory_space<smem>>
      %slice3A_134 = vector.extract_strided_slice %get3A_113 {offsets = [4], sizes = [1], strides = [1]} : vector<16xf32> to vector<1xf32>
      %squeeze3A_135 = vector.extract %slice3A_134[0] : f32 from vector<1xf32>
      %swap3A_136 = arith.constant 36 : i32
      %swap3A_137 = arith.index_cast %swap3A_136 : i32 to index
      %swap3A_138 = memref.load %arg6[%swap3A_137] : memref<256xf32, #tpu.memory_space<smem>>
      memref.store %squeeze3A_135, %arg6[%swap3A_137] : memref<256xf32, #tpu.memory_space<smem>>
      %slice3A_139 = vector.extract_strided_slice %get3A_113 {offsets = [5], sizes = [1], strides = [1]} : vector<16xf32> to vector<1xf32>
      %squeeze3A_140 = vector.extract %slice3A_139[0] : f32 from vector<1xf32>
      %swap3A_141 = arith.constant 37 : i32
      %swap3A_142 = arith.index_cast %swap3A_141 : i32 to index
      %swap3A_143 = memref.load %arg6[%swap3A_142] : memref<256xf32, #tpu.memory_space<smem>>
      memref.store %squeeze3A_140, %arg6[%swap3A_142] : memref<256xf32, #tpu.memory_space<smem>>
      %slice3A_144 = vector.extract_strided_slice %get3A_113 {offsets = [6], sizes = [1], strides = [1]} : vector<16xf32> to vector<1xf32>
      %squeeze3A_145 = vector.extract %slice3A_144[0] : f32 from vector<1xf32>
      %swap3A_146 = arith.constant 38 : i32
      %swap3A_147 = arith.index_cast %swap3A_146 : i32 to index
      %swap3A_148 = memref.load %arg6[%swap3A_147] : memref<256xf32, #tpu.memory_space<smem>>
      memref.store %squeeze3A_145, %arg6[%swap3A_147] : memref<256xf32, #tpu.memory_space<smem>>
      %slice3A_149 = vector.extract_strided_slice %get3A_113 {offsets = [7], sizes = [1], strides = [1]} : vector<16xf32> to vector<1xf32>
      %squeeze3A_150 = vector.extract %slice3A_149[0] : f32 from vector<1xf32>
      %swap3A_151 = arith.constant 39 : i32
      %swap3A_152 = arith.index_cast %swap3A_151 : i32 to index
      %swap3A_153 = memref.load %arg6[%swap3A_152] : memref<256xf32, #tpu.memory_space<smem>>
      memref.store %squeeze3A_150, %arg6[%swap3A_152] : memref<256xf32, #tpu.memory_space<smem>>
      %slice3A_154 = vector.extract_strided_slice %get3A_113 {offsets = [8], sizes = [1], strides = [1]} : vector<16xf32> to vector<1xf32>
      %squeeze3A_155 = vector.extract %slice3A_154[0] : f32 from vector<1xf32>
      %swap3A_156 = arith.constant 40 : i32
      %swap3A_157 = arith.index_cast %swap3A_156 : i32 to index
      %swap3A_158 = memref.load %arg6[%swap3A_157] : memref<256xf32, #tpu.memory_space<smem>>
      memref.store %squeeze3A_155, %arg6[%swap3A_157] : memref<256xf32, #tpu.memory_space<smem>>
      %slice3A_159 = vector.extract_strided_slice %get3A_113 {offsets = [9], sizes = [1], strides = [1]} : vector<16xf32> to vector<1xf32>
      %squeeze3A_160 = vector.extract %slice3A_159[0] : f32 from vector<1xf32>
      %swap3A_161 = arith.constant 41 : i32
      %swap3A_162 = arith.index_cast %swap3A_161 : i32 to index
      %swap3A_163 = memref.load %arg6[%swap3A_162] : memref<256xf32, #tpu.memory_space<smem>>
      memref.store %squeeze3A_160, %arg6[%swap3A_162] : memref<256xf32, #tpu.memory_space<smem>>
      %get3A_164 = arith.constant 3 : i32
      %get3A_165 = arith.index_cast %get3A_164 : i32 to index
      %get3A_166 = arith.constant 0 : index
      %get3A_167 = tpu.vector_load %arg4[%get3A_165, %get3A_166] {strides = array<i32>} : memref<16x16xf32, #tpu.memory_space<vmem>>, vector<1x16xf32>,
      %get3A_168 = vector.shape_cast %get3A_167 : vector<1x16xf32> to vector<16xf32>
      %slice3A_169 = vector.extract_strided_slice %get3A_168 {offsets = [0], sizes = [1], strides = [1]} : vector<16xf32> to vector<1xf32>
      %squeeze3A_170 = vector.extract %slice3A_169[0] : f32 from vector<1xf32>
      %swap3A_171 = arith.constant 48 : i32
      %swap3A_172 = arith.index_cast %swap3A_171 : i32 to index
      %swap3A_173 = memref.load %arg6[%swap3A_172] : memref<256xf32, #tpu.memory_space<smem>>
      memref.store %squeeze3A_170, %arg6[%swap3A_172] : memref<256xf32, #tpu.memory_space<smem>>
      %slice3A_174 = vector.extract_strided_slice %get3A_168 {offsets = [1], sizes = [1], strides = [1]} : vector<16xf32> to vector<1xf32>
      %squeeze3A_175 = vector.extract %slice3A_174[0] : f32 from vector<1xf32>
      %swap3A_176 = arith.constant 49 : i32
      %swap3A_177 = arith.index_cast %swap3A_176 : i32 to index
      %swap3A_178 = memref.load %arg6[%swap3A_177] : memref<256xf32, #tpu.memory_space<smem>>
      memref.store %squeeze3A_175, %arg6[%swap3A_177] : memref<256xf32, #tpu.memory_space<smem>>
      %slice3A_179 = vector.extract_strided_slice %get3A_168 {offsets = [2], sizes = [1], strides = [1]} : vector<16xf32> to vector<1xf32>
      %squeeze3A_180 = vector.extract %slice3A_179[0] : f32 from vector<1xf32>
      %swap3A_181 = arith.constant 50 : i32
      %swap3A_182 = arith.index_cast %swap3A_181 : i32 to index
      %swap3A_183 = memref.load %arg6[%swap3A_182] : memref<256xf32, #tpu.memory_space<smem>>
      memref.store %squeeze3A_180, %arg6[%swap3A_182] : memref<256xf32, #tpu.memory_space<smem>>
      %slice3A_184 = vector.extract_strided_slice %get3A_168 {offsets = [3], sizes = [1], strides = [1]} : vector<16xf32> to vector<1xf32>
      %squeeze3A_185 = vector.extract %slice3A_184[0] : f32 from vector<1xf32>
      %swap3A_186 = arith.constant 51 : i32
      %swap3A_187 = arith.index_cast %swap3A_186 : i32 to index
      %swap3A_188 = memref.load %arg6[%swap3A_187] : memref<256xf32, #tpu.memory_space<smem>>
      memref.store %squeeze3A_185, %arg6[%swap3A_187] : memref<256xf32, #tpu.memory_space<smem>>
      %slice3A_189 = vector.extract_strided_slice %get3A_168 {offsets = [4], sizes = [1], strides = [1]} : vector<16xf32> to vector<1xf32>
      %squeeze3A_190 = vector.extract %slice3A_189[0] : f32 from vector<1xf32>
      %swap3A_191 = arith.constant 52 : i32
      %swap3A_192 = arith.index_cast %swap3A_191 : i32 to index
      %swap3A_193 = memref.load %arg6[%swap3A_192] : memref<256xf32, #tpu.memory_space<smem>>
      memref.store %squeeze3A_190, %arg6[%swap3A_192] : memref<256xf32, #tpu.memory_space<smem>>
      %slice3A_194 = vector.extract_strided_slice %get3A_168 {offsets = [5], sizes = [1], strides = [1]} : vector<16xf32> to vector<1xf32>
      %squeeze3A_195 = vector.extract %slice3A_194[0] : f32 from vector<1xf32>
      %swap3A_196 = arith.constant 53 : i32
      %swap3A_197 = arith.index_cast %swap3A_196 : i32 to index
      %swap3A_198 = memref.load %arg6[%swap3A_197] : memref<256xf32, #tpu.memory_space<smem>>
      memref.store %squeeze3A_195, %arg6[%swap3A_197] : memref<256xf32, #tpu.memory_space<smem>>
      %slice3A_199 = vector.extract_strided_slice %get3A_168 {offsets = [6], sizes = [1], strides = [1]} : vector<16xf32> to vector<1xf32>
      %squeeze3A_200 = vector.extract %slice3A_199[0] : f32 from vector<1xf32>
      %swap3A_201 = arith.constant 54 : i32
      %swap3A_202 = arith.index_cast %swap3A_201 : i32 to index
      %swap3A_203 = memref.load %arg6[%swap3A_202] : memref<256xf32, #tpu.memory_space<smem>>
      memref.store %squeeze3A_200, %arg6[%swap3A_202] : memref<256xf32, #tpu.memory_space<smem>>
      %slice3A_204 = vector.extract_strided_slice %get3A_168 {offsets = [7], sizes = [1], strides = [1]} : vector<16xf32> to vector<1xf32>
      %squeeze3A_205 = vector.extract %slice3A_204[0] : f32 from vector<1xf32>
      %swap3A_206 = arith.constant 55 : i32
      %swap3A_207 = arith.index_cast %swap3A_206 : i32 to index
      %swap3A_208 = memref.load %arg6[%swap3A_207] : memref<256xf32, #tpu.memory_space<smem>>
      memref.store %squeeze3A_205, %arg6[%swap3A_207] : memref<256xf32, #tpu.memory_space<smem>>
      %slice3A_209 = vector.extract_strided_slice %get3A_168 {offsets = [8], sizes = [1], strides = [1]} : vector<16xf32> to vector<1xf32>
      %squeeze3A_210 = vector.extract %slice3A_209[0] : f32 from vector<1xf32>
      %swap3A_211 = arith.constant 56 : i32
      %swap3A_212 = arith.index_cast %swap3A_211 : i32 to index
      %swap3A_213 = memref.load %arg6[%swap3A_212] : memref<256xf32, #tpu.memory_space<smem>>
      memref.store %squeeze3A_210, %arg6[%swap3A_212] : memref<256xf32, #tpu.memory_space<smem>>
      %slice3A_214 = vector.extract_strided_slice %get3A_168 {offsets = [9], sizes = [1], strides = [1]} : vector<16xf32> to vector<1xf32>
      %squeeze3A_215 = vector.extract %slice3A_214[0] : f32 from vector<1xf32>
      %swap3A_216 = arith.constant 57 : i32
      %swap3A_217 = arith.index_cast %swap3A_216 : i32 to index
      %swap3A_218 = memref.load %arg6[%swap3A_217] : memref<256xf32, #tpu.memory_space<smem>>
      memref.store %squeeze3A_215, %arg6[%swap3A_217] : memref<256xf32, #tpu.memory_space<smem>>
      %get3A_219 = arith.constant 4 : i32
      %get3A_220 = arith.index_cast %get3A_219 : i32 to index
      %get3A_221 = arith.constant 0 : index
      %get3A_222 = tpu.vector_load %arg4[%get3A_220, %get3A_221] {strides = array<i32>} : memref<16x16xf32, #tpu.memory_space<vmem>>, vector<1x16xf32>,
      %get3A_223 = vector.shape_cast %get3A_222 : vector<1x16xf32> to vector<16xf32>
      %slice3A_224 = vector.extract_strided_slice %get3A_223 {offsets = [0], sizes = [1], strides = [1]} : vector<16xf32> to vector<1xf32>
      %squeeze3A_225 = vector.extract %slice3A_224[0] : f32 from vector<1xf32>
      %swap3A_226 = arith.constant 64 : i32
      %swap3A_227 = arith.index_cast %swap3A_226 : i32 to index
      %swap3A_228 = memref.load %arg6[%swap3A_227] : memref<256xf32, #tpu.memory_space<smem>>
      memref.store %squeeze3A_225, %arg6[%swap3A_227] : memref<256xf32, #tpu.memory_space<smem>>
      %slice3A_229 = vector.extract_strided_slice %get3A_223 {offsets = [1], sizes = [1], strides = [1]} : vector<16xf32> to vector<1xf32>
      %squeeze3A_230 = vector.extract %slice3A_229[0] : f32 from vector<1xf32>
      %swap3A_231 = arith.constant 65 : i32
      %swap3A_232 = arith.index_cast %swap3A_231 : i32 to index
      %swap3A_233 = memref.load %arg6[%swap3A_232] : memref<256xf32, #tpu.memory_space<smem>>
      memref.store %squeeze3A_230, %arg6[%swap3A_232] : memref<256xf32, #tpu.memory_space<smem>>
      %slice3A_234 = vector.extract_strided_slice %get3A_223 {offsets = [2], sizes = [1], strides = [1]} : vector<16xf32> to vector<1xf32>
      %squeeze3A_235 = vector.extract %slice3A_234[0] : f32 from vector<1xf32>
      %swap3A_236 = arith.constant 66 : i32
      %swap3A_237 = arith.index_cast %swap3A_236 : i32 to index
      %swap3A_238 = memref.load %arg6[%swap3A_237] : memref<256xf32, #tpu.memory_space<smem>>
      memref.store %squeeze3A_235, %arg6[%swap3A_237] : memref<256xf32, #tpu.memory_space<smem>>
      %slice3A_239 = vector.extract_strided_slice %get3A_223 {offsets = [3], sizes = [1], strides = [1]} : vector<16xf32> to vector<1xf32>
      %squeeze3A_240 = vector.extract %slice3A_239[0] : f32 from vector<1xf32>
      %swap3A_241 = arith.constant 67 : i32
      %swap3A_242 = arith.index_cast %swap3A_241 : i32 to index
      %swap3A_243 = memref.load %arg6[%swap3A_242] : memref<256xf32, #tpu.memory_space<smem>>
      memref.store %squeeze3A_240, %arg6[%swap3A_242] : memref<256xf32, #tpu.memory_space<smem>>
      %slice3A_244 = vector.extract_strided_slice %get3A_223 {offsets = [4], sizes = [1], strides = [1]} : vector<16xf32> to vector<1xf32>
      %squeeze3A_245 = vector.extract %slice3A_244[0] : f32 from vector<1xf32>
      %swap3A_246 = arith.constant 68 : i32
      %swap3A_247 = arith.index_cast %swap3A_246 : i32 to index
      %swap3A_248 = memref.load %arg6[%swap3A_247] : memref<256xf32, #tpu.memory_space<smem>>
      memref.store %squeeze3A_245, %arg6[%swap3A_247] : memref<256xf32, #tpu.memory_space<smem>>
      %slice3A_249 = vector.extract_strided_slice %get3A_223 {offsets = [5], sizes = [1], strides = [1]} : vector<16xf32> to vector<1xf32>
      %squeeze3A_250 = vector.extract %slice3A_249[0] : f32 from vector<1xf32>
      %swap3A_251 = arith.constant 69 : i32
      %swap3A_252 = arith.index_cast %swap3A_251 : i32 to index
      %swap3A_253 = memref.load %arg6[%swap3A_252] : memref<256xf32, #tpu.memory_space<smem>>
      memref.store %squeeze3A_250, %arg6[%swap3A_252] : memref<256xf32, #tpu.memory_space<smem>>
      %slice3A_254 = vector.extract_strided_slice %get3A_223 {offsets = [6], sizes = [1], strides = [1]} : vector<16xf32> to vector<1xf32>
      %squeeze3A_255 = vector.extract %slice3A_254[0] : f32 from vector<1xf32>
      %swap3A_256 = arith.constant 70 : i32
      %swap3A_257 = arith.index_cast %swap3A_256 : i32 to index
      %swap3A_258 = memref.load %arg6[%swap3A_257] : memref<256xf32, #tpu.memory_space<smem>>
      memref.store %squeeze3A_255, %arg6[%swap3A_257] : memref<256xf32, #tpu.memory_space<smem>>
      %slice3A_259 = vector.extract_strided_slice %get3A_223 {offsets = [7], sizes = [1], strides = [1]} : vector<16xf32> to vector<1xf32>
      %squeeze3A_260 = vector.extract %slice3A_259[0] : f32 from vector<1xf32>
      %swap3A_261 = arith.constant 71 : i32
      %swap3A_262 = arith.index_cast %swap3A_261 : i32 to index
      %swap3A_263 = memref.load %arg6[%swap3A_262] : memref<256xf32, #tpu.memory_space<smem>>
      memref.store %squeeze3A_260, %arg6[%swap3A_262] : memref<256xf32, #tpu.memory_space<smem>>
      %slice3A_264 = vector.extract_strided_slice %get3A_223 {offsets = [8], sizes = [1], strides = [1]} : vector<16xf32> to vector<1xf32>
      %squeeze3A_265 = vector.extract %slice3A_264[0] : f32 from vector<1xf32>
      %swap3A_266 = arith.constant 72 : i32
      %swap3A_267 = arith.index_cast %swap3A_266 : i32 to index
      %swap3A_268 = memref.load %arg6[%swap3A_267] : memref<256xf32, #tpu.memory_space<smem>>
      memref.store %squeeze3A_265, %arg6[%swap3A_267] : memref<256xf32, #tpu.memory_space<smem>>
      %slice3A_269 = vector.extract_strided_slice %get3A_223 {offsets = [9], sizes = [1], strides = [1]} : vector<16xf32> to vector<1xf32>
      %squeeze3A_270 = vector.extract %slice3A_269[0] : f32 from vector<1xf32>
      %swap3A_271 = arith.constant 73 : i32
      %swap3A_272 = arith.index_cast %swap3A_271 : i32 to index
      %swap3A_273 = memref.load %arg6[%swap3A_272] : memref<256xf32, #tpu.memory_space<smem>>
      memref.store %squeeze3A_270, %arg6[%swap3A_272] : memref<256xf32, #tpu.memory_space<smem>>
      %get3A_274 = arith.constant 5 : i32
      %get3A_275 = arith.index_cast %get3A_274 : i32 to index
      %get3A_276 = arith.constant 0 : index
      %get3A_277 = tpu.vector_load %arg4[%get3A_275, %get3A_276] {strides = array<i32>} : memref<16x16xf32, #tpu.memory_space<vmem>>, vector<1x16xf32>,
      %get3A_278 = vector.shape_cast %get3A_277 : vector<1x16xf32> to vector<16xf32>
      %slice3A_279 = vector.extract_strided_slice %get3A_278 {offsets = [0], sizes = [1], strides = [1]} : vector<16xf32> to vector<1xf32>
      %squeeze3A_280 = vector.extract %slice3A_279[0] : f32 from vector<1xf32>
      %swap3A_281 = arith.constant 80 : i32
      %swap3A_282 = arith.index_cast %swap3A_281 : i32 to index
      %swap3A_283 = memref.load %arg6[%swap3A_282] : memref<256xf32, #tpu.memory_space<smem>>
      memref.store %squeeze3A_280, %arg6[%swap3A_282] : memref<256xf32, #tpu.memory_space<smem>>
      %slice3A_284 = vector.extract_strided_slice %get3A_278 {offsets = [1], sizes = [1], strides = [1]} : vector<16xf32> to vector<1xf32>
      %squeeze3A_285 = vector.extract %slice3A_284[0] : f32 from vector<1xf32>
      %swap3A_286 = arith.constant 81 : i32
      %swap3A_287 = arith.index_cast %swap3A_286 : i32 to index
      %swap3A_288 = memref.load %arg6[%swap3A_287] : memref<256xf32, #tpu.memory_space<smem>>
      memref.store %squeeze3A_285, %arg6[%swap3A_287] : memref<256xf32, #tpu.memory_space<smem>>
      %slice3A_289 = vector.extract_strided_slice %get3A_278 {offsets = [2], sizes = [1], strides = [1]} : vector<16xf32> to vector<1xf32>
      %squeeze3A_290 = vector.extract %slice3A_289[0] : f32 from vector<1xf32>
      %swap3A_291 = arith.constant 82 : i32
      %swap3A_292 = arith.index_cast %swap3A_291 : i32 to index
      %swap3A_293 = memref.load %arg6[%swap3A_292] : memref<256xf32, #tpu.memory_space<smem>>
      memref.store %squeeze3A_290, %arg6[%swap3A_292] : memref<256xf32, #tpu.memory_space<smem>>
      %slice3A_294 = vector.extract_strided_slice %get3A_278 {offsets = [3], sizes = [1], strides = [1]} : vector<16xf32> to vector<1xf32>
      %squeeze3A_295 = vector.extract %slice3A_294[0] : f32 from vector<1xf32>
      %swap3A_296 = arith.constant 83 : i32
      %swap3A_297 = arith.index_cast %swap3A_296 : i32 to index
      %swap3A_298 = memref.load %arg6[%swap3A_297] : memref<256xf32, #tpu.memory_space<smem>>
      memref.store %squeeze3A_295, %arg6[%swap3A_297] : memref<256xf32, #tpu.memory_space<smem>>
      %slice3A_299 = vector.extract_strided_slice %get3A_278 {offsets = [4], sizes = [1], strides = [1]} : vector<16xf32> to vector<1xf32>
      %squeeze3A_300 = vector.extract %slice3A_299[0] : f32 from vector<1xf32>
      %swap3A_301 = arith.constant 84 : i32
      %swap3A_302 = arith.index_cast %swap3A_301 : i32 to index
      %swap3A_303 = memref.load %arg6[%swap3A_302] : memref<256xf32, #tpu.memory_space<smem>>
      memref.store %squeeze3A_300, %arg6[%swap3A_302] : memref<256xf32, #tpu.memory_space<smem>>
      %slice3A_304 = vector.extract_strided_slice %get3A_278 {offsets = [5], sizes = [1], strides = [1]} : vector<16xf32> to vector<1xf32>
      %squeeze3A_305 = vector.extract %slice3A_304[0] : f32 from vector<1xf32>
      %swap3A_306 = arith.constant 85 : i32
      %swap3A_307 = arith.index_cast %swap3A_306 : i32 to index
      %swap3A_308 = memref.load %arg6[%swap3A_307] : memref<256xf32, #tpu.memory_space<smem>>
      memref.store %squeeze3A_305, %arg6[%swap3A_307] : memref<256xf32, #tpu.memory_space<smem>>
      %slice3A_309 = vector.extract_strided_slice %get3A_278 {offsets = [6], sizes = [1], strides = [1]} : vector<16xf32> to vector<1xf32>
      %squeeze3A_310 = vector.extract %slice3A_309[0] : f32 from vector<1xf32>
      %swap3A_311 = arith.constant 86 : i32
      %swap3A_312 = arith.index_cast %swap3A_311 : i32 to index
      %swap3A_313 = memref.load %arg6[%swap3A_312] : memref<256xf32, #tpu.memory_space<smem>>
      memref.store %squeeze3A_310, %arg6[%swap3A_312] : memref<256xf32, #tpu.memory_space<smem>>
      %slice3A_314 = vector.extract_strided_slice %get3A_278 {offsets = [7], sizes = [1], strides = [1]} : vector<16xf32> to vector<1xf32>
      %squeeze3A_315 = vector.extract %slice3A_314[0] : f32 from vector<1xf32>
      %swap3A_316 = arith.constant 87 : i32
      %swap3A_317 = arith.index_cast %swap3A_316 : i32 to index
      %swap3A_318 = memref.load %arg6[%swap3A_317] : memref<256xf32, #tpu.memory_space<smem>>
      memref.store %squeeze3A_315, %arg6[%swap3A_317] : memref<256xf32, #tpu.memory_space<smem>>
      %slice3A_319 = vector.extract_strided_slice %get3A_278 {offsets = [8], sizes = [1], strides = [1]} : vector<16xf32> to vector<1xf32>
      %squeeze3A_320 = vector.extract %slice3A_319[0] : f32 from vector<1xf32>
      %swap3A_321 = arith.constant 88 : i32
      %swap3A_322 = arith.index_cast %swap3A_321 : i32 to index
      %swap3A_323 = memref.load %arg6[%swap3A_322] : memref<256xf32, #tpu.memory_space<smem>>
      memref.store %squeeze3A_320, %arg6[%swap3A_322] : memref<256xf32, #tpu.memory_space<smem>>
      %slice3A_324 = vector.extract_strided_slice %get3A_278 {offsets = [9], sizes = [1], strides = [1]} : vector<16xf32> to vector<1xf32>
      %squeeze3A_325 = vector.extract %slice3A_324[0] : f32 from vector<1xf32>
      %swap3A_326 = arith.constant 89 : i32
      %swap3A_327 = arith.index_cast %swap3A_326 : i32 to index
      %swap3A_328 = memref.load %arg6[%swap3A_327] : memref<256xf32, #tpu.memory_space<smem>>
      memref.store %squeeze3A_325, %arg6[%swap3A_327] : memref<256xf32, #tpu.memory_space<smem>>
      %get3A_329 = arith.constant 6 : i32
      %get3A_330 = arith.index_cast %get3A_329 : i32 to index
      %get3A_331 = arith.constant 0 : index
      %get3A_332 = tpu.vector_load %arg4[%get3A_330, %get3A_331] {strides = array<i32>} : memref<16x16xf32, #tpu.memory_space<vmem>>, vector<1x16xf32>,
      %get3A_333 = vector.shape_cast %get3A_332 : vector<1x16xf32> to vector<16xf32>
      %slice3A_334 = vector.extract_strided_slice %get3A_333 {offsets = [0], sizes = [1], strides = [1]} : vector<16xf32> to vector<1xf32>
      %squeeze3A_335 = vector.extract %slice3A_334[0] : f32 from vector<1xf32>
      %swap3A_336 = arith.constant 96 : i32
      %swap3A_337 = arith.index_cast %swap3A_336 : i32 to index
      %swap3A_338 = memref.load %arg6[%swap3A_337] : memref<256xf32, #tpu.memory_space<smem>>
      memref.store %squeeze3A_335, %arg6[%swap3A_337] : memref<256xf32, #tpu.memory_space<smem>>
      %slice3A_339 = vector.extract_strided_slice %get3A_333 {offsets = [1], sizes = [1], strides = [1]} : vector<16xf32> to vector<1xf32>
      %squeeze3A_340 = vector.extract %slice3A_339[0] : f32 from vector<1xf32>
      %swap3A_341 = arith.constant 97 : i32
      %swap3A_342 = arith.index_cast %swap3A_341 : i32 to index
      %swap3A_343 = memref.load %arg6[%swap3A_342] : memref<256xf32, #tpu.memory_space<smem>>
      memref.store %squeeze3A_340, %arg6[%swap3A_342] : memref<256xf32, #tpu.memory_space<smem>>
      %slice3A_344 = vector.extract_strided_slice %get3A_333 {offsets = [2], sizes = [1], strides = [1]} : vector<16xf32> to vector<1xf32>
      %squeeze3A_345 = vector.extract %slice3A_344[0] : f32 from vector<1xf32>
      %swap3A_346 = arith.constant 98 : i32
      %swap3A_347 = arith.index_cast %swap3A_346 : i32 to index
      %swap3A_348 = memref.load %arg6[%swap3A_347] : memref<256xf32, #tpu.memory_space<smem>>
      memref.store %squeeze3A_345, %arg6[%swap3A_347] : memref<256xf32, #tpu.memory_space<smem>>
      %slice3A_349 = vector.extract_strided_slice %get3A_333 {offsets = [3], sizes = [1], strides = [1]} : vector<16xf32> to vector<1xf32>
      %squeeze3A_350 = vector.extract %slice3A_349[0] : f32 from vector<1xf32>
      %swap3A_351 = arith.constant 99 : i32
      %swap3A_352 = arith.index_cast %swap3A_351 : i32 to index
      %swap3A_353 = memref.load %arg6[%swap3A_352] : memref<256xf32, #tpu.memory_space<smem>>
      memref.store %squeeze3A_350, %arg6[%swap3A_352] : memref<256xf32, #tpu.memory_space<smem>>
      %slice3A_354 = vector.extract_strided_slice %get3A_333 {offsets = [4], sizes = [1], strides = [1]} : vector<16xf32> to vector<1xf32>
      %squeeze3A_355 = vector.extract %slice3A_354[0] : f32 from vector<1xf32>
      %swap3A_356 = arith.constant 100 : i32
      %swap3A_357 = arith.index_cast %swap3A_356 : i32 to index
      %swap3A_358 = memref.load %arg6[%swap3A_357] : memref<256xf32, #tpu.memory_space<smem>>
      memref.store %squeeze3A_355, %arg6[%swap3A_357] : memref<256xf32, #tpu.memory_space<smem>>
      %slice3A_359 = vector.extract_strided_slice %get3A_333 {offsets = [5], sizes = [1], strides = [1]} : vector<16xf32> to vector<1xf32>
      %squeeze3A_360 = vector.extract %slice3A_359[0] : f32 from vector<1xf32>
      %swap3A_361 = arith.constant 101 : i32
      %swap3A_362 = arith.index_cast %swap3A_361 : i32 to index
      %swap3A_363 = memref.load %arg6[%swap3A_362] : memref<256xf32, #tpu.memory_space<smem>>
      memref.store %squeeze3A_360, %arg6[%swap3A_362] : memref<256xf32, #tpu.memory_space<smem>>
      %slice3A_364 = vector.extract_strided_slice %get3A_333 {offsets = [6], sizes = [1], strides = [1]} : vector<16xf32> to vector<1xf32>
      %squeeze3A_365 = vector.extract %slice3A_364[0] : f32 from vector<1xf32>
      %swap3A_366 = arith.constant 102 : i32
      %swap3A_367 = arith.index_cast %swap3A_366 : i32 to index
      %swap3A_368 = memref.load %arg6[%swap3A_367] : memref<256xf32, #tpu.memory_space<smem>>
      memref.store %squeeze3A_365, %arg6[%swap3A_367] : memref<256xf32, #tpu.memory_space<smem>>
      %slice3A_369 = vector.extract_strided_slice %get3A_333 {offsets = [7], sizes = [1], strides = [1]} : vector<16xf32> to vector<1xf32>
      %squeeze3A_370 = vector.extract %slice3A_369[0] : f32 from vector<1xf32>
      %swap3A_371 = arith.constant 103 : i32
      %swap3A_372 = arith.index_cast %swap3A_371 : i32 to index
      %swap3A_373 = memref.load %arg6[%swap3A_372] : memref<256xf32, #tpu.memory_space<smem>>
      memref.store %squeeze3A_370, %arg6[%swap3A_372] : memref<256xf32, #tpu.memory_space<smem>>
      %slice3A_374 = vector.extract_strided_slice %get3A_333 {offsets = [8], sizes = [1], strides = [1]} : vector<16xf32> to vector<1xf32>
      %squeeze3A_375 = vector.extract %slice3A_374[0] : f32 from vector<1xf32>
      %swap3A_376 = arith.constant 104 : i32
      %swap3A_377 = arith.index_cast %swap3A_376 : i32 to index
      %swap3A_378 = memref.load %arg6[%swap3A_377] : memref<256xf32, #tpu.memory_space<smem>>
      memref.store %squeeze3A_375, %arg6[%swap3A_377] : memref<256xf32, #tpu.memory_space<smem>>
      %slice3A_379 = vector.extract_strided_slice %get3A_333 {offsets = [9], sizes = [1], strides = [1]} : vector<16xf32> to vector<1xf32>
      %squeeze3A_380 = vector.extract %slice3A_379[0] : f32 from vector<1xf32>
      %swap3A_381 = arith.constant 105 : i32
      %swap3A_382 = arith.index_cast %swap3A_381 : i32 to index
      %swap3A_383 = memref.load %arg6[%swap3A_382] : memref<256xf32, #tpu.memory_space<smem>>
      memref.store %squeeze3A_380, %arg6[%swap3A_382] : memref<256xf32, #tpu.memory_space<smem>>
      %get3A_384 = arith.constant 7 : i32
      %get3A_385 = arith.index_cast %get3A_384 : i32 to index
      %get3A_386 = arith.constant 0 : index
      %get3A_387 = tpu.vector_load %arg4[%get3A_385, %get3A_386] {strides = array<i32>} : memref<16x16xf32, #tpu.memory_space<vmem>>, vector<1x16xf32>,
      %get3A_388 = vector.shape_cast %get3A_387 : vector<1x16xf32> to vector<16xf32>
      %slice3A_389 = vector.extract_strided_slice %get3A_388 {offsets = [0], sizes = [1], strides = [1]} : vector<16xf32> to vector<1xf32>
      %squeeze3A_390 = vector.extract %slice3A_389[0] : f32 from vector<1xf32>
      %swap3A_391 = arith.constant 112 : i32
      %swap3A_392 = arith.index_cast %swap3A_391 : i32 to index
      %swap3A_393 = memref.load %arg6[%swap3A_392] : memref<256xf32, #tpu.memory_space<smem>>
      memref.store %squeeze3A_390, %arg6[%swap3A_392] : memref<256xf32, #tpu.memory_space<smem>>
      %slice3A_394 = vector.extract_strided_slice %get3A_388 {offsets = [1], sizes = [1], strides = [1]} : vector<16xf32> to vector<1xf32>
      %squeeze3A_395 = vector.extract %slice3A_394[0] : f32 from vector<1xf32>
      %swap3A_396 = arith.constant 113 : i32
      %swap3A_397 = arith.index_cast %swap3A_396 : i32 to index
      %swap3A_398 = memref.load %arg6[%swap3A_397] : memref<256xf32, #tpu.memory_space<smem>>
      memref.store %squeeze3A_395, %arg6[%swap3A_397] : memref<256xf32, #tpu.memory_space<smem>>
      %slice3A_399 = vector.extract_strided_slice %get3A_388 {offsets = [2], sizes = [1], strides = [1]} : vector<16xf32> to vector<1xf32>
      %squeeze3A_400 = vector.extract %slice3A_399[0] : f32 from vector<1xf32>
      %swap3A_401 = arith.constant 114 : i32
      %swap3A_402 = arith.index_cast %swap3A_401 : i32 to index
      %swap3A_403 = memref.load %arg6[%swap3A_402] : memref<256xf32, #tpu.memory_space<smem>>
      memref.store %squeeze3A_400, %arg6[%swap3A_402] : memref<256xf32, #tpu.memory_space<smem>>
      %slice3A_404 = vector.extract_strided_slice %get3A_388 {offsets = [3], sizes = [1], strides = [1]} : vector<16xf32> to vector<1xf32>
      %squeeze3A_405 = vector.extract %slice3A_404[0] : f32 from vector<1xf32>
      %swap3A_406 = arith.constant 115 : i32
      %swap3A_407 = arith.index_cast %swap3A_406 : i32 to index
      %swap3A_408 = memref.load %arg6[%swap3A_407] : memref<256xf32, #tpu.memory_space<smem>>
      memref.store %squeeze3A_405, %arg6[%swap3A_407] : memref<256xf32, #tpu.memory_space<smem>>
      %slice3A_409 = vector.extract_strided_slice %get3A_388 {offsets = [4], sizes = [1], strides = [1]} : vector<16xf32> to vector<1xf32>
      %squeeze3A_410 = vector.extract %slice3A_409[0] : f32 from vector<1xf32>
      %swap3A_411 = arith.constant 116 : i32
      %swap3A_412 = arith.index_cast %swap3A_411 : i32 to index
      %swap3A_413 = memref.load %arg6[%swap3A_412] : memref<256xf32, #tpu.memory_space<smem>>
      memref.store %squeeze3A_410, %arg6[%swap3A_412] : memref<256xf32, #tpu.memory_space<smem>>
      %slice3A_414 = vector.extract_strided_slice %get3A_388 {offsets = [5], sizes = [1], strides = [1]} : vector<16xf32> to vector<1xf32>
      %squeeze3A_415 = vector.extract %slice3A_414[0] : f32 from vector<1xf32>
      %swap3A_416 = arith.constant 117 : i32
      %swap3A_417 = arith.index_cast %swap3A_416 : i32 to index
      %swap3A_418 = memref.load %arg6[%swap3A_417] : memref<256xf32, #tpu.memory_space<smem>>
      memref.store %squeeze3A_415, %arg6[%swap3A_417] : memref<256xf32, #tpu.memory_space<smem>>
      %slice3A_419 = vector.extract_strided_slice %get3A_388 {offsets = [6], sizes = [1], strides = [1]} : vector<16xf32> to vector<1xf32>
      %squeeze3A_420 = vector.extract %slice3A_419[0] : f32 from vector<1xf32>
      %swap3A_421 = arith.constant 118 : i32
      %swap3A_422 = arith.index_cast %swap3A_421 : i32 to index
      %swap3A_423 = memref.load %arg6[%swap3A_422] : memref<256xf32, #tpu.memory_space<smem>>
      memref.store %squeeze3A_420, %arg6[%swap3A_422] : memref<256xf32, #tpu.memory_space<smem>>
      %slice3A_424 = vector.extract_strided_slice %get3A_388 {offsets = [7], sizes = [1], strides = [1]} : vector<16xf32> to vector<1xf32>
      %squeeze3A_425 = vector.extract %slice3A_424[0] : f32 from vector<1xf32>
      %swap3A_426 = arith.constant 119 : i32
      %swap3A_427 = arith.index_cast %swap3A_426 : i32 to index
      %swap3A_428 = memref.load %arg6[%swap3A_427] : memref<256xf32, #tpu.memory_space<smem>>
      memref.store %squeeze3A_425, %arg6[%swap3A_427] : memref<256xf32, #tpu.memory_space<smem>>
      %slice3A_429 = vector.extract_strided_slice %get3A_388 {offsets = [8], sizes = [1], strides = [1]} : vector<16xf32> to vector<1xf32>
      %squeeze3A_430 = vector.extract %slice3A_429[0] : f32 from vector<1xf32>
      %swap3A_431 = arith.constant 120 : i32
      %swap3A_432 = arith.index_cast %swap3A_431 : i32 to index
      %swap3A_433 = memref.load %arg6[%swap3A_432] : memref<256xf32, #tpu.memory_space<smem>>
      memref.store %squeeze3A_430, %arg6[%swap3A_432] : memref<256xf32, #tpu.memory_space<smem>>
      %slice3A_434 = vector.extract_strided_slice %get3A_388 {offsets = [9], sizes = [1], strides = [1]} : vector<16xf32> to vector<1xf32>
      %squeeze3A_435 = vector.extract %slice3A_434[0] : f32 from vector<1xf32>
      %swap3A_436 = arith.constant 121 : i32
      %swap3A_437 = arith.index_cast %swap3A_436 : i32 to index
      %swap3A_438 = memref.load %arg6[%swap3A_437] : memref<256xf32, #tpu.memory_space<smem>>
      memref.store %squeeze3A_435, %arg6[%swap3A_437] : memref<256xf32, #tpu.memory_space<smem>>
      %get3A_439 = arith.constant 8 : i32
      %get3A_440 = arith.index_cast %get3A_439 : i32 to index
      %get3A_441 = arith.constant 0 : index
      %get3A_442 = tpu.vector_load %arg4[%get3A_440, %get3A_441] {strides = array<i32>} : memref<16x16xf32, #tpu.memory_space<vmem>>, vector<1x16xf32>,
      %get3A_443 = vector.shape_cast %get3A_442 : vector<1x16xf32> to vector<16xf32>
      %slice3A_444 = vector.extract_strided_slice %get3A_443 {offsets = [0], sizes = [1], strides = [1]} : vector<16xf32> to vector<1xf32>
      %squeeze3A_445 = vector.extract %slice3A_444[0] : f32 from vector<1xf32>
      %swap3A_446 = arith.constant 128 : i32
      %swap3A_447 = arith.index_cast %swap3A_446 : i32 to index
      %swap3A_448 = memref.load %arg6[%swap3A_447] : memref<256xf32, #tpu.memory_space<smem>>
      memref.store %squeeze3A_445, %arg6[%swap3A_447] : memref<256xf32, #tpu.memory_space<smem>>
      %slice3A_449 = vector.extract_strided_slice %get3A_443 {offsets = [1], sizes = [1], strides = [1]} : vector<16xf32> to vector<1xf32>
      %squeeze3A_450 = vector.extract %slice3A_449[0] : f32 from vector<1xf32>
      %swap3A_451 = arith.constant 129 : i32
      %swap3A_452 = arith.index_cast %swap3A_451 : i32 to index
      %swap3A_453 = memref.load %arg6[%swap3A_452] : memref<256xf32, #tpu.memory_space<smem>>
      memref.store %squeeze3A_450, %arg6[%swap3A_452] : memref<256xf32, #tpu.memory_space<smem>>
      %slice3A_454 = vector.extract_strided_slice %get3A_443 {offsets = [2], sizes = [1], strides = [1]} : vector<16xf32> to vector<1xf32>
      %squeeze3A_455 = vector.extract %slice3A_454[0] : f32 from vector<1xf32>
      %swap3A_456 = arith.constant 130 : i32
      %swap3A_457 = arith.index_cast %swap3A_456 : i32 to index
      %swap3A_458 = memref.load %arg6[%swap3A_457] : memref<256xf32, #tpu.memory_space<smem>>
      memref.store %squeeze3A_455, %arg6[%swap3A_457] : memref<256xf32, #tpu.memory_space<smem>>
      %slice3A_459 = vector.extract_strided_slice %get3A_443 {offsets = [3], sizes = [1], strides = [1]} : vector<16xf32> to vector<1xf32>
      %squeeze3A_460 = vector.extract %slice3A_459[0] : f32 from vector<1xf32>
      %swap3A_461 = arith.constant 131 : i32
      %swap3A_462 = arith.index_cast %swap3A_461 : i32 to index
      %swap3A_463 = memref.load %arg6[%swap3A_462] : memref<256xf32, #tpu.memory_space<smem>>
      memref.store %squeeze3A_460, %arg6[%swap3A_462] : memref<256xf32, #tpu.memory_space<smem>>
      %slice3A_464 = vector.extract_strided_slice %get3A_443 {offsets = [4], sizes = [1], strides = [1]} : vector<16xf32> to vector<1xf32>
      %squeeze3A_465 = vector.extract %slice3A_464[0] : f32 from vector<1xf32>
      %swap3A_466 = arith.constant 132 : i32
      %swap3A_467 = arith.index_cast %swap3A_466 : i32 to index
      %swap3A_468 = memref.load %arg6[%swap3A_467] : memref<256xf32, #tpu.memory_space<smem>>
      memref.store %squeeze3A_465, %arg6[%swap3A_467] : memref<256xf32, #tpu.memory_space<smem>>
      %slice3A_469 = vector.extract_strided_slice %get3A_443 {offsets = [5], sizes = [1], strides = [1]} : vector<16xf32> to vector<1xf32>
      %squeeze3A_470 = vector.extract %slice3A_469[0] : f32 from vector<1xf32>
      %swap3A_471 = arith.constant 133 : i32
      %swap3A_472 = arith.index_cast %swap3A_471 : i32 to index
      %swap3A_473 = memref.load %arg6[%swap3A_472] : memref<256xf32, #tpu.memory_space<smem>>
      memref.store %squeeze3A_470, %arg6[%swap3A_472] : memref<256xf32, #tpu.memory_space<smem>>
      %slice3A_474 = vector.extract_strided_slice %get3A_443 {offsets = [6], sizes = [1], strides = [1]} : vector<16xf32> to vector<1xf32>
      %squeeze3A_475 = vector.extract %slice3A_474[0] : f32 from vector<1xf32>
      %swap3A_476 = arith.constant 134 : i32
      %swap3A_477 = arith.index_cast %swap3A_476 : i32 to index
      %swap3A_478 = memref.load %arg6[%swap3A_477] : memref<256xf32, #tpu.memory_space<smem>>
      memref.store %squeeze3A_475, %arg6[%swap3A_477] : memref<256xf32, #tpu.memory_space<smem>>
      %slice3A_479 = vector.extract_strided_slice %get3A_443 {offsets = [7], sizes = [1], strides = [1]} : vector<16xf32> to vector<1xf32>
      %squeeze3A_480 = vector.extract %slice3A_479[0] : f32 from vector<1xf32>
      %swap3A_481 = arith.constant 135 : i32
      %swap3A_482 = arith.index_cast %swap3A_481 : i32 to index
      %swap3A_483 = memref.load %arg6[%swap3A_482] : memref<256xf32, #tpu.memory_space<smem>>
      memref.store %squeeze3A_480, %arg6[%swap3A_482] : memref<256xf32, #tpu.memory_space<smem>>
      %slice3A_484 = vector.extract_strided_slice %get3A_443 {offsets = [8], sizes = [1], strides = [1]} : vector<16xf32> to vector<1xf32>
      %squeeze3A_485 = vector.extract %slice3A_484[0] : f32 from vector<1xf32>
      %swap3A_486 = arith.constant 136 : i32
      %swap3A_487 = arith.index_cast %swap3A_486 : i32 to index
      %swap3A_488 = memref.load %arg6[%swap3A_487] : memref<256xf32, #tpu.memory_space<smem>>
      memref.store %squeeze3A_485, %arg6[%swap3A_487] : memref<256xf32, #tpu.memory_space<smem>>
      %slice3A_489 = vector.extract_strided_slice %get3A_443 {offsets = [9], sizes = [1], strides = [1]} : vector<16xf32> to vector<1xf32>
      %squeeze3A_490 = vector.extract %slice3A_489[0] : f32 from vector<1xf32>
      %swap3A_491 = arith.constant 137 : i32
      %swap3A_492 = arith.index_cast %swap3A_491 : i32 to index
      %swap3A_493 = memref.load %arg6[%swap3A_492] : memref<256xf32, #tpu.memory_space<smem>>
      memref.store %squeeze3A_490, %arg6[%swap3A_492] : memref<256xf32, #tpu.memory_space<smem>>
      %get3A_494 = arith.constant 9 : i32
      %get3A_495 = arith.index_cast %get3A_494 : i32 to index
      %get3A_496 = arith.constant 0 : index
      %get3A_497 = tpu.vector_load %arg4[%get3A_495, %get3A_496] {strides = array<i32>} : memref<16x16xf32, #tpu.memory_space<vmem>>, vector<1x16xf32>,
      %get3A_498 = vector.shape_cast %get3A_497 : vector<1x16xf32> to vector<16xf32>
      %slice3A_499 = vector.extract_strided_slice %get3A_498 {offsets = [0], sizes = [1], strides = [1]} : vector<16xf32> to vector<1xf32>
      %squeeze3A_500 = vector.extract %slice3A_499[0] : f32 from vector<1xf32>
      %swap3A_501 = arith.constant 144 : i32
      %swap3A_502 = arith.index_cast %swap3A_501 : i32 to index
      %swap3A_503 = memref.load %arg6[%swap3A_502] : memref<256xf32, #tpu.memory_space<smem>>
      memref.store %squeeze3A_500, %arg6[%swap3A_502] : memref<256xf32, #tpu.memory_space<smem>>
      %slice3A_504 = vector.extract_strided_slice %get3A_498 {offsets = [1], sizes = [1], strides = [1]} : vector<16xf32> to vector<1xf32>
      %squeeze3A_505 = vector.extract %slice3A_504[0] : f32 from vector<1xf32>
      %swap3A_506 = arith.constant 145 : i32
      %swap3A_507 = arith.index_cast %swap3A_506 : i32 to index
      %swap3A_508 = memref.load %arg6[%swap3A_507] : memref<256xf32, #tpu.memory_space<smem>>
      memref.store %squeeze3A_505, %arg6[%swap3A_507] : memref<256xf32, #tpu.memory_space<smem>>
      %slice3A_509 = vector.extract_strided_slice %get3A_498 {offsets = [2], sizes = [1], strides = [1]} : vector<16xf32> to vector<1xf32>
      %squeeze3A_510 = vector.extract %slice3A_509[0] : f32 from vector<1xf32>
      %swap3A_511 = arith.constant 146 : i32
      %swap3A_512 = arith.index_cast %swap3A_511 : i32 to index
      %swap3A_513 = memref.load %arg6[%swap3A_512] : memref<256xf32, #tpu.memory_space<smem>>
      memref.store %squeeze3A_510, %arg6[%swap3A_512] : memref<256xf32, #tpu.memory_space<smem>>
      %slice3A_514 = vector.extract_strided_slice %get3A_498 {offsets = [3], sizes = [1], strides = [1]} : vector<16xf32> to vector<1xf32>
      %squeeze3A_515 = vector.extract %slice3A_514[0] : f32 from vector<1xf32>
      %swap3A_516 = arith.constant 147 : i32
      %swap3A_517 = arith.index_cast %swap3A_516 : i32 to index
      %swap3A_518 = memref.load %arg6[%swap3A_517] : memref<256xf32, #tpu.memory_space<smem>>
      memref.store %squeeze3A_515, %arg6[%swap3A_517] : memref<256xf32, #tpu.memory_space<smem>>
      %slice3A_519 = vector.extract_strided_slice %get3A_498 {offsets = [4], sizes = [1], strides = [1]} : vector<16xf32> to vector<1xf32>
      %squeeze3A_520 = vector.extract %slice3A_519[0] : f32 from vector<1xf32>
      %swap3A_521 = arith.constant 148 : i32
      %swap3A_522 = arith.index_cast %swap3A_521 : i32 to index
      %swap3A_523 = memref.load %arg6[%swap3A_522] : memref<256xf32, #tpu.memory_space<smem>>
      memref.store %squeeze3A_520, %arg6[%swap3A_522] : memref<256xf32, #tpu.memory_space<smem>>
      %slice3A_524 = vector.extract_strided_slice %get3A_498 {offsets = [5], sizes = [1], strides = [1]} : vector<16xf32> to vector<1xf32>
      %squeeze3A_525 = vector.extract %slice3A_524[0] : f32 from vector<1xf32>
      %swap3A_526 = arith.constant 149 : i32
      %swap3A_527 = arith.index_cast %swap3A_526 : i32 to index
      %swap3A_528 = memref.load %arg6[%swap3A_527] : memref<256xf32, #tpu.memory_space<smem>>
      memref.store %squeeze3A_525, %arg6[%swap3A_527] : memref<256xf32, #tpu.memory_space<smem>>
      %slice3A_529 = vector.extract_strided_slice %get3A_498 {offsets = [6], sizes = [1], strides = [1]} : vector<16xf32> to vector<1xf32>
      %squeeze3A_530 = vector.extract %slice3A_529[0] : f32 from vector<1xf32>
      %swap3A_531 = arith.constant 150 : i32
      %swap3A_532 = arith.index_cast %swap3A_531 : i32 to index
      %swap3A_533 = memref.load %arg6[%swap3A_532] : memref<256xf32, #tpu.memory_space<smem>>
      memref.store %squeeze3A_530, %arg6[%swap3A_532] : memref<256xf32, #tpu.memory_space<smem>>
      %slice3A_534 = vector.extract_strided_slice %get3A_498 {offsets = [7], sizes = [1], strides = [1]} : vector<16xf32> to vector<1xf32>
      %squeeze3A_535 = vector.extract %slice3A_534[0] : f32 from vector<1xf32>
      %swap3A_536 = arith.constant 151 : i32
      %swap3A_537 = arith.index_cast %swap3A_536 : i32 to index
      %swap3A_538 = memref.load %arg6[%swap3A_537] : memref<256xf32, #tpu.memory_space<smem>>
      memref.store %squeeze3A_535, %arg6[%swap3A_537] : memref<256xf32, #tpu.memory_space<smem>>
      %slice3A_539 = vector.extract_strided_slice %get3A_498 {offsets = [8], sizes = [1], strides = [1]} : vector<16xf32> to vector<1xf32>
      %squeeze3A_540 = vector.extract %slice3A_539[0] : f32 from vector<1xf32>
      %swap3A_541 = arith.constant 152 : i32
      %swap3A_542 = arith.index_cast %swap3A_541 : i32 to index
      %swap3A_543 = memref.load %arg6[%swap3A_542] : memref<256xf32, #tpu.memory_space<smem>>
      memref.store %squeeze3A_540, %arg6[%swap3A_542] : memref<256xf32, #tpu.memory_space<smem>>
      %slice3A_544 = vector.extract_strided_slice %get3A_498 {offsets = [9], sizes = [1], strides = [1]} : vector<16xf32> to vector<1xf32>
      %squeeze3A_545 = vector.extract %slice3A_544[0] : f32 from vector<1xf32>
      %swap3A_546 = arith.constant 153 : i32
      %swap3A_547 = arith.index_cast %swap3A_546 : i32 to index
      %swap3A_548 = memref.load %arg6[%swap3A_547] : memref<256xf32, #tpu.memory_space<smem>>
      memref.store %squeeze3A_545, %arg6[%swap3A_547] : memref<256xf32, #tpu.memory_space<smem>>
      %scan3A = arith.constant 0 : i32
      %scan3A_549 = arith.constant 0 : i32
      %scan3A_550 = arith.constant 16 : i32
      %scan3A_551 = arith.addi %scan3A_549, %scan3A_550 : i32
      %scan3A_552 = arith.constant 1 : i32
      %scan3A_553 = scf.for %scan3A_592 = %scan3A_549 to %scan3A_551 step %scan3A_552 iter_args(%scan3A_593 = %scan3A) -> (i32)  : i32 {
        %swap3A_594 = arith.constant 0 : i32
        %swap3A_595 = arith.index_cast %scan3A_592 : i32 to index
        %swap3A_596 = memref.load %arg8[%swap3A_595] : memref<16xi32, #tpu.memory_space<smem>>
        memref.store %swap3A_594, %arg8[%swap3A_595] : memref<16xi32, #tpu.memory_space<smem>>
        %swap3A_597 = arith.constant 0 : i32
        %swap3A_598 = arith.index_cast %scan3A_592 : i32 to index
        %swap3A_599 = memref.load %arg12[%swap3A_598] : memref<16xi32, #tpu.memory_space<smem>>
        memref.store %swap3A_597, %arg12[%swap3A_598] : memref<16xi32, #tpu.memory_space<smem>>
        %scan3A_600 = arith.constant 0 : i32
        scf.yield %scan3A_600 : i32
      }
      %scan3A_554 = arith.constant 16 : i32
      %scan3A_555 = arith.constant 0xFF800000 : f32
      %scan3A_556 = arith.constant 0 : i32
      %scan3A_557 = arith.constant 0 : i32
      %scan3A_558 = arith.constant 10 : i32
      %scan3A_559 = arith.addi %scan3A_557, %scan3A_558 : i32
      %scan3A_560 = arith.constant 1 : i32
      %scan3A_561 = scf.for %scan3A_592 = %scan3A_557 to %scan3A_559 step %scan3A_560 iter_args(%scan3A_593 = %scan3A_556) -> (i32)  : i32 {
        %scan3A_594 = arith.constant 0 : i32
        %scan3A_595 = arith.constant 0 : i32
        %scan3A_596 = arith.constant 16 : i32
        %scan3A_597 = arith.addi %scan3A_595, %scan3A_596 : i32
        %scan3A_598 = arith.constant 1 : i32
        %scan3A_599 = scf.for %scan3A_609 = %scan3A_595 to %scan3A_597 step %scan3A_598 iter_args(%scan3A_610 = %scan3A_594) -> (i32)  : i32 {
          %mul3A = arith.constant 16 : i32
          %mul3A_611 = arith.muli %scan3A_592, %mul3A : i32
          %add3A = arith.addi %mul3A_611, %scan3A_609 : i32
          %swap3A_612 = arith.constant 0 : i32
          %swap3A_613 = arith.index_cast %add3A : i32 to index
          %swap3A_614 = memref.load %arg7[%swap3A_613] : memref<256xi32, #tpu.memory_space<smem>>
          memref.store %swap3A_612, %arg7[%swap3A_613] : memref<256xi32, #tpu.memory_space<smem>>
          %scan3A_615 = arith.constant 0 : i32
          scf.yield %scan3A_615 : i32
        }
        %scan3A_600 = arith.constant 16 : i32
        %scan3A_601 = arith.constant 0 : i32
        %scan3A_602 = arith.constant 0 : i32
        %scan3A_603 = arith.constant 3 : i32
        %scan3A_604 = arith.addi %scan3A_602, %scan3A_603 : i32
        %scan3A_605 = arith.constant 1 : i32
        %scan3A_606 = scf.for %scan3A_609 = %scan3A_602 to %scan3A_604 step %scan3A_605 iter_args(%scan3A_610 = %scan3A_601) -> (i32)  : i32 {
          %scan3A_611 = arith.constant 0 : i32
          %scan3A_612 = arith.constant 0 : i32
          %scan3A_613 = arith.constant 10 : i32
          %scan3A_614 = arith.addi %scan3A_612, %scan3A_613 : i32
          %scan3A_615 = arith.constant 1 : i32
          %scan3A_616:2 = scf.for %scan3A_623 = %scan3A_612 to %scan3A_614 step %scan3A_615 iter_args(%scan3A_624 = %scan3A_555, %scan3A_625 = %scan3A_611) -> (f32, i32)  : i32 {
            %mul3A_626 = arith.constant 16 : i32
            %mul3A_627 = arith.muli %scan3A_592, %mul3A_626 : i32
            %add3A_628 = arith.addi %mul3A_627, %scan3A_623 : i32
            %get3A_629 = arith.index_cast %add3A_628 : i32 to index
            %get3A_630 = memref.load %arg6[%get3A_629] : memref<256xf32, #tpu.memory_space<smem>>
            %mul3A_631 = arith.constant 16 : i32
            %mul3A_632 = arith.muli %scan3A_592, %mul3A_631 : i32
            %add3A_633 = arith.addi %mul3A_632, %scan3A_623 : i32
            %get3A_634 = arith.index_cast %add3A_633 : i32 to index
            %get3A_635 = memref.load %arg7[%get3A_634] : memref<256xi32, #tpu.memory_space<smem>>
            %eq3A_636 = arith.constant 0 : i32
            %eq3A_637 = arith.cmpi eq, %get3A_635, %eq3A_636 : i32
            %gt3A = arith.cmpf ogt, %get3A_630, %scan3A_624 : f32
            %and3A_638 = arith.andi %eq3A_637, %gt3A : i1
            %select_n3A_639 = arith.select %and3A_638, %get3A_630, %scan3A_624 : f32
            %select_n3A_640 = arith.select %and3A_638, %scan3A_623, %scan3A_625 : i32
            scf.yield %select_n3A_639, %select_n3A_640 : f32, i32
          }
          %scan3A_617 = arith.constant 10 : i32
          %mul3A = arith.constant 16 : i32
          %mul3A_618 = arith.muli %scan3A_592, %mul3A : i32
          %add3A = arith.addi %mul3A_618, %scan3A_616#1 : i32
          %swap3A_619 = arith.constant 1 : i32
          %swap3A_620 = arith.index_cast %add3A : i32 to index
          %swap3A_621 = memref.load %arg7[%swap3A_620] : memref<256xi32, #tpu.memory_space<smem>>
          memref.store %swap3A_619, %arg7[%swap3A_620] : memref<256xi32, #tpu.memory_space<smem>>
          %scan3A_622 = arith.constant 0 : i32
          scf.yield %scan3A_622 : i32
        }
        %scan3A_607 = arith.constant 3 : i32
        %scan3A_608 = arith.constant 0 : i32
        scf.yield %scan3A_608 : i32
      }
      %scan3A_562 = arith.constant 10 : i32
      %scan3A_563 = arith.constant 0 : i32
      %scan3A_564 = arith.constant 1 : i32
      %scan3A_565 = arith.constant 10 : i32
      %scan3A_566 = arith.addi %scan3A_564, %scan3A_565 : i32
      %scan3A_567 = arith.constant 1 : i32
      %scan3A_568 = scf.for %scan3A_592 = %scan3A_564 to %scan3A_566 step %scan3A_567 iter_args(%scan3A_593 = %scan3A_563) -> (i32)  : i32 {
        %scan3A_594 = arith.constant 0 : i32
        %scan3A_595 = arith.constant 0 : i32
        %scan3A_596 = arith.constant 16 : i32
        %scan3A_597 = arith.addi %scan3A_595, %scan3A_596 : i32
        %scan3A_598 = arith.constant 1 : i32
        %scan3A_599 = scf.for %scan3A_618 = %scan3A_595 to %scan3A_597 step %scan3A_598 iter_args(%scan3A_619 = %scan3A_594) -> (i32)  : i32 {
          %swap3A_620 = arith.constant 0 : i32
          %swap3A_621 = arith.index_cast %scan3A_618 : i32 to index
          %swap3A_622 = memref.load %arg9[%swap3A_621] : memref<16xi32, #tpu.memory_space<smem>>
          memref.store %swap3A_620, %arg9[%swap3A_621] : memref<16xi32, #tpu.memory_space<smem>>
          %scan3A_623 = arith.constant 0 : i32
          scf.yield %scan3A_623 : i32
        }
        %scan3A_600 = arith.constant 16 : i32
        %swap3A_601 = arith.constant 0 : i32
        %swap3A_602 = arith.index_cast %swap3A_601 : i32 to index
        %swap3A_603 = memref.load %arg10[%swap3A_602] : memref<16xi32, #tpu.memory_space<smem>>
        memref.store %scan3A_592, %arg10[%swap3A_602] : memref<16xi32, #tpu.memory_space<smem>>
        %swap3A_604 = arith.constant 0 : i32
        %swap3A_605 = arith.constant 0 : i32
        %swap3A_606 = arith.index_cast %swap3A_605 : i32 to index
        %swap3A_607 = memref.load %arg11[%swap3A_606] : memref<16xi32, #tpu.memory_space<smem>>
        memref.store %swap3A_604, %arg11[%swap3A_606] : memref<16xi32, #tpu.memory_space<smem>>
        %scan3A_608 = arith.constant 0 : i32
        %scan3A_609 = arith.constant false
        %scan3A_610 = arith.constant false
        %scan3A_611 = arith.constant 0 : i32
        %scan3A_612 = arith.constant 128 : i32
        %scan3A_613 = arith.addi %scan3A_611, %scan3A_612 : i32
        %scan3A_614 = arith.constant 1 : i32
        %scan3A_615:3 = scf.for %scan3A_618 = %scan3A_611 to %scan3A_613 step %scan3A_614 iter_args(%scan3A_619 = %scan3A_608, %scan3A_620 = %scan3A_609, %scan3A_621 = %scan3A_610) -> (i32, i1, i1)  : i32 {
          %convert_element_type3A_622 = arith.extui %scan3A_620 : i1 to i32
          %cond3A_623 = arith.constant 0 : i32
          %cond3A_624 = arith.cmpi ne, %convert_element_type3A_622, %cond3A_623 : i32
          %cond3A_625:3 = scf.if %cond3A_624 -> (i32, i1, i1) {
            scf.yield %scan3A_619, %scan3A_620, %scan3A_621 : i32, i1, i1
          } else {
            %get3A_626 = arith.index_cast %scan3A_619 : i32 to index
            %get3A_627 = memref.load %arg10[%get3A_626] : memref<16xi32, #tpu.memory_space<smem>>
            %get3A_628 = arith.index_cast %scan3A_619 : i32 to index
            %get3A_629 = memref.load %arg11[%get3A_628] : memref<16xi32, #tpu.memory_space<smem>>
            %ge3A = arith.constant 10 : i32
            %ge3A_630 = arith.cmpi sge, %get3A_629, %ge3A : i32
            %min3A = arith.constant 9 : i32
            %min3A_631 = arith.minsi %get3A_629, %min3A : i32
            %sub3A = arith.constant 1 : i32
            %sub3A_632 = arith.subi %get3A_627, %sub3A : i32
            %mul3A = arith.constant 16 : i32
            %mul3A_633 = arith.muli %sub3A_632, %mul3A : i32
            %add3A_634 = arith.addi %mul3A_633, %min3A_631 : i32
            %get3A_635 = arith.index_cast %add3A_634 : i32 to index
            %get3A_636 = memref.load %arg7[%get3A_635] : memref<256xi32, #tpu.memory_space<smem>>
            %ne3A = arith.constant 0 : i32
            %ne3A_637 = arith.cmpi ne, %get3A_636, %ne3A : i32
            %get3A_638 = arith.index_cast %min3A_631 : i32 to index
            %get3A_639 = memref.load %arg9[%get3A_638] : memref<16xi32, #tpu.memory_space<smem>>
            %eq3A_640 = arith.constant 0 : i32
            %eq3A_641 = arith.cmpi eq, %get3A_639, %eq3A_640 : i32
            %and3A_642 = arith.andi %ne3A_637, %eq3A_641 : i1
            %not3A = arith.constant true
            %not3A_643 = arith.xori %ge3A_630, %not3A : i1
            %and3A_644 = arith.andi %and3A_642, %not3A_643 : i1
            %get3A_645 = arith.index_cast %min3A_631 : i32 to index
            %get3A_646 = memref.load %arg8[%get3A_645] : memref<16xi32, #tpu.memory_space<smem>>
            %eq3A_647 = arith.constant 0 : i32
            %eq3A_648 = arith.cmpi eq, %get3A_646, %eq3A_647 : i32
            %and3A_649 = arith.andi %and3A_644, %eq3A_648 : i1
            %ne3A_650 = arith.constant 0 : i32
            %ne3A_651 = arith.cmpi ne, %get3A_646, %ne3A_650 : i32
            %and3A_652 = arith.andi %and3A_644, %ne3A_651 : i1
            %not3A_653 = arith.constant true
            %not3A_654 = arith.xori %and3A_644, %not3A_653 : i1
            %not3A_655 = arith.constant true
            %not3A_656 = arith.xori %ge3A_630, %not3A_655 : i1
            %and3A_657 = arith.andi %not3A_654, %not3A_656 : i1
            %get3A_658 = arith.index_cast %min3A_631 : i32 to index
            %get3A_659 = memref.load %arg9[%get3A_658] : memref<16xi32, #tpu.memory_space<smem>>
            %jit3A_660 = arith.constant 1 : i32
            %select_n3A_661 = arith.select %and3A_644, %jit3A_660, %get3A_659 : i32
            %swap3A_662 = arith.index_cast %min3A_631 : i32 to index
            %swap3A_663 = memref.load %arg9[%swap3A_662] : memref<16xi32, #tpu.memory_space<smem>>
            memref.store %select_n3A_661, %arg9[%swap3A_662] : memref<16xi32, #tpu.memory_space<smem>>
            %get3A_664 = arith.index_cast %scan3A_619 : i32 to index
            %get3A_665 = memref.load %arg12[%get3A_664] : memref<16xi32, #tpu.memory_space<smem>>
            %select_n3A_666 = arith.select %and3A_644, %min3A_631, %get3A_665 : i32
            %swap3A_667 = arith.index_cast %scan3A_619 : i32 to index
            %swap3A_668 = memref.load %arg12[%swap3A_667] : memref<16xi32, #tpu.memory_space<smem>>
            memref.store %select_n3A_666, %arg12[%swap3A_667] : memref<16xi32, #tpu.memory_space<smem>>
            %scan3A_669 = arith.constant 0 : i32
            %scan3A_670 = arith.constant 0 : i32
            %scan3A_671 = arith.constant 10 : i32
            %scan3A_672 = arith.addi %scan3A_670, %scan3A_671 : i32
            %scan3A_673 = arith.constant 1 : i32
            %scan3A_674 = scf.for %scan3A_708 = %scan3A_670 to %scan3A_672 step %scan3A_673 iter_args(%scan3A_709 = %scan3A_669) -> (i32)  : i32 {
              %le3A = arith.cmpi sle, %scan3A_708, %scan3A_619 : i32
              %and3A_710 = arith.andi %and3A_649, %le3A : i1
              %get3A_711 = arith.index_cast %scan3A_708 : i32 to index
              %get3A_712 = memref.load %arg12[%get3A_711] : memref<16xi32, #tpu.memory_space<smem>>
              %get3A_713 = arith.index_cast %scan3A_708 : i32 to index
              %get3A_714 = memref.load %arg10[%get3A_713] : memref<16xi32, #tpu.memory_space<smem>>
              %get3A_715 = arith.index_cast %get3A_712 : i32 to index
              %get3A_716 = memref.load %arg8[%get3A_715] : memref<16xi32, #tpu.memory_space<smem>>
              %select_n3A_717 = arith.select %and3A_710, %get3A_714, %get3A_716 : i32
              %swap3A_718 = arith.index_cast %get3A_712 : i32 to index
              %swap3A_719 = memref.load %arg8[%swap3A_718] : memref<16xi32, #tpu.memory_space<smem>>
              memref.store %select_n3A_717, %arg8[%swap3A_718] : memref<16xi32, #tpu.memory_space<smem>>
              %scan3A_720 = arith.constant 0 : i32
              scf.yield %scan3A_720 : i32
            }
            %scan3A_675 = arith.constant 10 : i32
            %or3A = arith.ori %and3A_657, %and3A_652 : i1
            %add3A_676 = arith.constant 1 : i32
            %add3A_677 = arith.addi %min3A_631, %add3A_676 : i32
            %select_n3A_678 = arith.select %or3A, %add3A_677, %get3A_629 : i32
            %swap3A_679 = arith.index_cast %scan3A_619 : i32 to index
            %swap3A_680 = memref.load %arg11[%swap3A_679] : memref<16xi32, #tpu.memory_space<smem>>
            memref.store %select_n3A_678, %arg11[%swap3A_679] : memref<16xi32, #tpu.memory_space<smem>>
            %add3A_681 = arith.constant 1 : i32
            %add3A_682 = arith.addi %scan3A_619, %add3A_681 : i32
            %get3A_683 = arith.index_cast %add3A_682 : i32 to index
            %get3A_684 = memref.load %arg10[%get3A_683] : memref<16xi32, #tpu.memory_space<smem>>
            %select_n3A_685 = arith.select %and3A_652, %get3A_646, %get3A_684 : i32
            %swap3A_686 = arith.index_cast %add3A_682 : i32 to index
            %swap3A_687 = memref.load %arg10[%swap3A_686] : memref<16xi32, #tpu.memory_space<smem>>
            memref.store %select_n3A_685, %arg10[%swap3A_686] : memref<16xi32, #tpu.memory_space<smem>>
            %get3A_688 = arith.index_cast %add3A_682 : i32 to index
            %get3A_689 = memref.load %arg11[%get3A_688] : memref<16xi32, #tpu.memory_space<smem>>
            %jit3A_690 = arith.constant 0 : i32
            %select_n3A_691 = arith.select %and3A_652, %jit3A_690, %get3A_689 : i32
            %swap3A_692 = arith.index_cast %add3A_682 : i32 to index
            %swap3A_693 = memref.load %arg11[%swap3A_692] : memref<16xi32, #tpu.memory_space<smem>>
            memref.store %select_n3A_691, %arg11[%swap3A_692] : memref<16xi32, #tpu.memory_space<smem>>
            %jit3A_694 = arith.constant 1 : i32
            %jit3A_695 = arith.constant 0 : i32
            %select_n3A_696 = arith.select %and3A_652, %jit3A_694, %jit3A_695 : i32
            %add3A_697 = arith.addi %scan3A_619, %select_n3A_696 : i32
            %jit3A_698 = arith.constant 1 : i32
            %jit3A_699 = arith.constant 0 : i32
            %select_n3A_700 = arith.select %ge3A_630, %jit3A_698, %jit3A_699 : i32
            %sub3A_701 = arith.subi %add3A_697, %select_n3A_700 : i32
            %or3A_702 = arith.ori %scan3A_620, %and3A_649 : i1
            %eq3A_703 = arith.constant 0 : i32
            %eq3A_704 = arith.cmpi eq, %scan3A_619, %eq3A_703 : i32
            %and3A_705 = arith.andi %ge3A_630, %eq3A_704 : i1
            %or3A_706 = arith.ori %or3A_702, %and3A_705 : i1
            %or3A_707 = arith.ori %scan3A_621, %and3A_649 : i1
            scf.yield %sub3A_701, %or3A_706, %or3A_707 : i32, i1, i1
          }
          scf.yield %cond3A_625#0, %cond3A_625#1, %cond3A_625#2 : i32, i1, i1
        }
        %scan3A_616 = arith.constant 128 : i32
        %convert_element_type3A_617 = arith.extui %scan3A_615#2 : i1 to i32
        %add3A = arith.addi %scan3A_593, %convert_element_type3A_617 : i32
        scf.yield %add3A : i32
      }
      %scan3A_569 = arith.constant 10 : i32
      %scan3A_570 = arith.constant 0.000000e+00 : f32
      %scan3A_571 = arith.constant 0 : i32
      %scan3A_572 = arith.constant 10 : i32
      %scan3A_573 = arith.addi %scan3A_571, %scan3A_572 : i32
      %scan3A_574 = arith.constant 1 : i32
      %scan3A_575 = scf.for %scan3A_592 = %scan3A_571 to %scan3A_573 step %scan3A_574 iter_args(%scan3A_593 = %scan3A_570) -> (f32)  : i32 {
        %get3A_594 = arith.index_cast %scan3A_592 : i32 to index
        %get3A_595 = memref.load %arg8[%get3A_594] : memref<16xi32, #tpu.memory_space<smem>>
        %sub3A = arith.constant 1 : i32
        %sub3A_596 = arith.subi %get3A_595, %sub3A : i32
        %max3A_597 = arith.constant 0 : i32
        %max3A_598 = arith.maxsi %sub3A_596, %max3A_597 : i32
        %mul3A = arith.constant 16 : i32
        %mul3A_599 = arith.muli %max3A_598, %mul3A : i32
        %add3A = arith.addi %mul3A_599, %scan3A_592 : i32
        %get3A_600 = arith.index_cast %add3A : i32 to index
        %get3A_601 = memref.load %arg6[%get3A_600] : memref<256xf32, #tpu.memory_space<smem>>
        %gt3A = arith.constant 0 : i32
        %gt3A_602 = arith.cmpi sgt, %get3A_595, %gt3A : i32
        %jit3A_603 = arith.constant 0.000000e+00 : f32
        %select_n3A_604 = arith.select %gt3A_602, %get3A_601, %jit3A_603 : f32
        %add3A_605 = arith.addf %scan3A_593, %select_n3A_604 : f32
        scf.yield %add3A_605 : f32
      }
      %scan3A_576 = arith.constant 10 : i32
      %max3A = arith.constant 1 : i32
      %max3A_577 = arith.maxsi %scan3A_568, %max3A : i32
      %convert_element_type3A_578 = arith.sitofp %max3A_577 : i32 to f32
      %eq3A_579 = arith.constant 0 : i32
      %eq3A_580 = vector.broadcast %eq3A_579 : i32 to vector<16xi32>
      %eq3A_581 = arith.cmpi eq, %iota3A, %eq3A_580 : vector<16xi32>
      %eq3A_582 = arith.constant 1 : i32
      %eq3A_583 = vector.broadcast %eq3A_582 : i32 to vector<16xi32>
      %eq3A_584 = arith.cmpi eq, %iota3A, %eq3A_583 : vector<16xi32>
      %jit3A = arith.constant 0.000000e+00 : f32
      %broadcast_in_dim3A = vector.broadcast %convert_element_type3A_578 : f32 to vector<16xf32>
      %broadcast_in_dim3A_585 = vector.broadcast %jit3A : f32 to vector<16xf32>
      %select_n3A = arith.select %eq3A_584, %broadcast_in_dim3A, %broadcast_in_dim3A_585 : vector<16xi1>, vector<16xf32>
      %broadcast_in_dim3A_586 = vector.broadcast %scan3A_575 : f32 to vector<16xf32>
      %select_n3A_587 = arith.select %eq3A_581, %broadcast_in_dim3A_586, %select_n3A : vector<16xi1>, vector<16xf32>
      %swap3A_588 = arith.constant 0 : index
      %swap3A_589 = tpu.vector_load %arg5[%swap3A_588] {strides = array<i32>} : memref<16xf32, #tpu.memory_space<vmem>>, vector<16xf32>,
      %swap3A_590 = vector.shape_cast %swap3A_589 : vector<16xf32> to vector<16xf32>
      %swap3A_591 = vector.shape_cast %select_n3A_587 : vector<16xf32> to vector<16xf32>
      tpu.vector_store %arg5[%swap3A_588], %swap3A_591 {strides = array<i32>} : memref<16xf32, #tpu.memory_space<vmem>>, vector<16xf32>,
      "tpu.region"() ({
        %run_scoped3A = tpu.sem_alloc : memref<!tpu.dma_semaphore, #tpu.memory_space<semaphore_mem>>
        %dma_start3A = arith.constant 0 : i32
        %dma_start3A_592 = tpu.memref_slice %arg3[%arg1, %dma_start3A] : memref<16x16xf32, #tpu.memory_space<hbm>> -> memref<1x16xf32, #tpu.memory_space<hbm>>
        %dma_start3A_593 = tpu.memref_squeeze %dma_start3A_592 : memref<1x16xf32, #tpu.memory_space<hbm>> -> memref<16xf32, #tpu.memory_space<hbm>>
        %dma_start3A_594 = arith.constant 0 : i32
        %dma_start3A_595 = tpu.memref_slice %arg3[%arg1, %dma_start3A_594] : memref<16x16xf32, #tpu.memory_space<hbm>> -> memref<1x16xf32, #tpu.memory_space<hbm>>
        %dma_start3A_596 = tpu.memref_squeeze %dma_start3A_595 : memref<1x16xf32, #tpu.memory_space<hbm>> -> memref<16xf32, #tpu.memory_space<hbm>>
        tpu.enqueue_dma source(%arg5 : memref<16xf32, #tpu.memory_space<vmem>>) target(%dma_start3A_596 : memref<16xf32, #tpu.memory_space<hbm>>) target_semaphore(%run_scoped3A : memref<!tpu.dma_semaphore, #tpu.memory_space<semaphore_mem>>)
        %dma_wait3A = arith.constant 0 : i32
        %dma_wait3A_597 = tpu.memref_slice %arg3[%arg1, %dma_wait3A] : memref<16x16xf32, #tpu.memory_space<hbm>> -> memref<1x16xf32, #tpu.memory_space<hbm>>
        %dma_wait3A_598 = tpu.memref_squeeze %dma_wait3A_597 : memref<1x16xf32, #tpu.memory_space<hbm>> -> memref<16xf32, #tpu.memory_space<hbm>>
        %dma_wait3A_599 = arith.constant 0 : i32
        %dma_wait3A_600 = tpu.memref_slice %arg3[%arg1, %dma_wait3A_599] : memref<16x16xf32, #tpu.memory_space<hbm>> -> memref<1x16xf32, #tpu.memory_space<hbm>>
        %dma_wait3A_601 = tpu.memref_squeeze %dma_wait3A_600 : memref<1x16xf32, #tpu.memory_space<hbm>> -> memref<16xf32, #tpu.memory_space<hbm>>
        tpu.wait_dma2 semaphore(%run_scoped3A : memref<!tpu.dma_semaphore, #tpu.memory_space<semaphore_mem>>) src(%arg5 : memref<16xf32, #tpu.memory_space<vmem>>) dst(%dma_wait3A_601 : memref<16xf32, #tpu.memory_space<hbm>>)
        tpu.yield
      }) : () -> ()
    } else {
    }
    return
  }
}

module attributes {stable_mosaic.version = 14 : i64} {
  func.func @_tc_body(%arg0: i32, %arg1: memref<16xi32, #tpu.memory_space<smem>>, %arg2: memref<1x2048x256xf32, #tpu.memory_space<vmem>>, %arg3: memref<1x2048x1xi32, #tpu.memory_space<vmem>>, %arg4: memref<1x16x16xf32, #tpu.memory_space<vmem>>) attributes {dimension_semantics = [#tpu.dimension_semantics<arbitrary>], iteration_bounds = array<i64: 16>, scalar_prefetch = 1 : i64, scratch_operands = 0 : i64, tpu.core_type = #tpu.core_type<tc>, window_params = [{transform_indices = @transform_0, window_bounds = array<i64: 1, 2048, 256>}, {transform_indices = @transform_1, window_bounds = array<i64: 1, 2048, 1>}, {transform_indices = @transform_2, window_bounds = array<i64: 1, 16, 16>}]} {
    %get3A = arith.index_cast %arg0 : i32 to index
    %get3A_0 = memref.load %arg1[%get3A] : memref<16xi32, #tpu.memory_space<smem>>
    %get3A_1 = arith.constant 0 : index
    %get3A_2 = arith.constant 0 : index
    %get3A_3 = arith.constant 0 : index
    %get3A_4 = vector.load %arg2[%get3A_1, %get3A_2, %get3A_3] : memref<1x2048x256xf32, #tpu.memory_space<vmem>>, vector<1x2048x256xf32>
    %get3A_5 = vector.shape_cast %get3A_4 : vector<1x2048x256xf32> to vector<2048x256xf32>
    %get3A_6 = arith.constant 0 : index
    %get3A_7 = arith.constant 0 : index
    %get3A_8 = arith.constant 0 : index
    %get3A_9 = vector.load %arg3[%get3A_6, %get3A_7, %get3A_8] : memref<1x2048x1xi32, #tpu.memory_space<vmem>>, vector<1x2048x1xi32>
    %get3A_10 = vector.shape_cast %get3A_9 : vector<1x2048x1xi32> to vector<2048x1xi32>
    %iota3A = tpu.iota {dimensions = array<i32: 0>} : vector<2048x1xi32>
    %lt3A = vector.broadcast %get3A_0 : i32 to vector<2048x1xi32>
    %lt3A_11 = arith.cmpi slt, %iota3A, %lt3A : vector<2048x1xi32>
    %iota3A_12 = tpu.iota {dimensions = array<i32: 1>} : vector<1x16xi32>
    %convert_element_type3A = arith.sitofp %iota3A_12 : vector<1x16xi32> to vector<1x16xf32>
    %broadcast_in_dim3A = arith.constant 1.000000e+00 : bf16
    %broadcast_in_dim3A_13 = vector.broadcast %broadcast_in_dim3A : bf16 to vector<2048x1xbf16>
    %broadcast_in_dim3A_14 = arith.constant 1.000000e+00 : f32
    %broadcast_in_dim3A_15 = vector.broadcast %broadcast_in_dim3A_14 : f32 to vector<1x256xf32>
    %convert_element_type3A_16 = arith.truncf %get3A_5 : vector<2048x256xf32> to vector<2048x256xbf16>
    %convert_element_type3A_17 = arith.extf %convert_element_type3A_16 : vector<2048x256xbf16> to vector<2048x256xf32>
    %sub3A = arith.subf %get3A_5, %convert_element_type3A_17 : vector<2048x256xf32>
    %convert_element_type3A_18 = arith.truncf %sub3A : vector<2048x256xf32> to vector<2048x256xbf16>
    %convert_element_type3A_19 = arith.extf %convert_element_type3A_18 : vector<2048x256xbf16> to vector<2048x256xf32>
    %sub3A_20 = arith.subf %sub3A, %convert_element_type3A_19 : vector<2048x256xf32>
    %convert_element_type3A_21 = arith.truncf %sub3A_20 : vector<2048x256xf32> to vector<2048x256xbf16>
    %eq3A = vector.broadcast %get3A_10 : vector<2048x1xi32> to vector<2048x16xi32>
    %eq3A_22 = vector.broadcast %iota3A_12 : vector<1x16xi32> to vector<2048x16xi32>
    %eq3A_23 = arith.cmpi eq, %eq3A, %eq3A_22 : vector<2048x16xi32>
    %and3A = vector.broadcast %lt3A_11 : vector<2048x1xi1> to vector<2048x16xi1>
    %and3A_24 = arith.andi %eq3A_23, %and3A : vector<2048x16xi1>
    %jit3A = arith.constant 1.000000e+00 : f32
    %jit3A_25 = arith.constant 0.000000e+00 : f32
    %broadcast_in_dim3A_26 = vector.broadcast %jit3A : f32 to vector<2048x16xf32>
    %broadcast_in_dim3A_27 = vector.broadcast %jit3A_25 : f32 to vector<2048x16xf32>
    %select_n3A = arith.select %and3A_24, %broadcast_in_dim3A_26, %broadcast_in_dim3A_27 : vector<2048x16xi1>, vector<2048x16xf32>
    %convert_element_type3A_28 = arith.truncf %select_n3A : vector<2048x16xf32> to vector<2048x16xbf16>
    %dot_general3A = arith.constant dense<0.000000e+00> : vector<16x256xf32>
    %dot_general3A_29 = tpu.matmul %convert_element_type3A_28, %convert_element_type3A_16, %dot_general3A {dimension_numbers = #tpu.dot_dimension_numbers<[0], [0], [1], [1], [0, 1, 1, 1], [], []>, transpose_lhs_hint = false} : vector<2048x16xbf16>, vector<2048x256xbf16>, vector<16x256xf32> -> vector<16x256xf32>
    %dot_general3A_30 = arith.constant dense<0.000000e+00> : vector<16x256xf32>
    %dot_general3A_31 = tpu.matmul %convert_element_type3A_28, %convert_element_type3A_18, %dot_general3A_30 {dimension_numbers = #tpu.dot_dimension_numbers<[0], [0], [1], [1], [0, 1, 1, 1], [], []>, transpose_lhs_hint = false} : vector<2048x16xbf16>, vector<2048x256xbf16>, vector<16x256xf32> -> vector<16x256xf32>
    %add3A = arith.addf %dot_general3A_29, %dot_general3A_31 : vector<16x256xf32>
    %dot_general3A_32 = arith.constant dense<0.000000e+00> : vector<16x256xf32>
    %dot_general3A_33 = tpu.matmul %convert_element_type3A_28, %convert_element_type3A_21, %dot_general3A_32 {dimension_numbers = #tpu.dot_dimension_numbers<[0], [0], [1], [1], [0, 1, 1, 1], [], []>, transpose_lhs_hint = false} : vector<2048x16xbf16>, vector<2048x256xbf16>, vector<16x256xf32> -> vector<16x256xf32>
    %add3A_34 = arith.addf %add3A, %dot_general3A_33 : vector<16x256xf32>
    %dot_general3A_35 = arith.constant dense<0.000000e+00> : vector<16x1xf32>
    %dot_general3A_36 = tpu.matmul %convert_element_type3A_28, %broadcast_in_dim3A_13, %dot_general3A_35 {dimension_numbers = #tpu.dot_dimension_numbers<[0], [0], [1], [1], [0, 1, 1, 1], [], []>, transpose_lhs_hint = false} : vector<2048x16xbf16>, vector<2048x1xbf16>, vector<16x1xf32> -> vector<16x1xf32>
    %max3A = arith.constant 1.000000e+00 : f32
    %max3A_37 = vector.broadcast %max3A : f32 to vector<16x1xf32>
    %max3A_38 = arith.maximumf %dot_general3A_36, %max3A_37 : vector<16x1xf32>
    %div3A = vector.broadcast %max3A_38 : vector<16x1xf32> to vector<16x256xf32>
    %div3A_39 = arith.divf %add3A_34, %div3A : vector<16x256xf32>
    %slice3A = vector.extract_strided_slice %get3A_5 {offsets = [0, 0], sizes = [16, 256], strides = [1, 1]} : vector<2048x256xf32> to vector<16x256xf32>
    %scan3A = arith.constant 0x7F800000 : f32
    %scan3A_40 = arith.constant 0 : i32
    %scan3A_41 = arith.constant 10 : i32
    %scan3A_42 = arith.addi %scan3A_40, %scan3A_41 : i32
    %scan3A_43 = arith.constant 1 : i32
    %scan3A_44 = scf.for %scan3A_123 = %scan3A_40 to %scan3A_42 step %scan3A_43 iter_args(%scan3A_124 = %slice3A) -> (vector<16x256xf32>)  : i32 {
      %convert_element_type3A_125 = arith.truncf %scan3A_124 : vector<16x256xf32> to vector<16x256xbf16>
      %convert_element_type3A_126 = arith.extf %convert_element_type3A_125 : vector<16x256xbf16> to vector<16x256xf32>
      %sub3A_127 = arith.subf %scan3A_124, %convert_element_type3A_126 : vector<16x256xf32>
      %convert_element_type3A_128 = arith.truncf %sub3A_127 : vector<16x256xf32> to vector<16x256xbf16>
      %convert_element_type3A_129 = arith.extf %convert_element_type3A_128 : vector<16x256xbf16> to vector<16x256xf32>
      %sub3A_130 = arith.subf %sub3A_127, %convert_element_type3A_129 : vector<16x256xf32>
      %convert_element_type3A_131 = arith.truncf %sub3A_130 : vector<16x256xf32> to vector<16x256xbf16>
      %dot_general3A_132 = arith.constant dense<0.000000e+00> : vector<2048x16xf32>
      %dot_general3A_133 = tpu.matmul %convert_element_type3A_16, %convert_element_type3A_125, %dot_general3A_132 {dimension_numbers = #tpu.dot_dimension_numbers<[1], [1], [0], [0], [0, 0, 1, 0], [], []>, transpose_lhs_hint = false} : vector<2048x256xbf16>, vector<16x256xbf16>, vector<2048x16xf32> -> vector<2048x16xf32>
      %dot_general3A_134 = arith.constant dense<0.000000e+00> : vector<2048x16xf32>
      %dot_general3A_135 = tpu.matmul %convert_element_type3A_16, %convert_element_type3A_128, %dot_general3A_134 {dimension_numbers = #tpu.dot_dimension_numbers<[1], [1], [0], [0], [0, 0, 1, 0], [], []>, transpose_lhs_hint = false} : vector<2048x256xbf16>, vector<16x256xbf16>, vector<2048x16xf32> -> vector<2048x16xf32>
      %add3A_136 = arith.addf %dot_general3A_133, %dot_general3A_135 : vector<2048x16xf32>
      %dot_general3A_137 = arith.constant dense<0.000000e+00> : vector<2048x16xf32>
      %dot_general3A_138 = tpu.matmul %convert_element_type3A_18, %convert_element_type3A_125, %dot_general3A_137 {dimension_numbers = #tpu.dot_dimension_numbers<[1], [1], [0], [0], [0, 0, 1, 0], [], []>, transpose_lhs_hint = false} : vector<2048x256xbf16>, vector<16x256xbf16>, vector<2048x16xf32> -> vector<2048x16xf32>
      %add3A_139 = arith.addf %add3A_136, %dot_general3A_138 : vector<2048x16xf32>
      %dot_general3A_140 = arith.constant dense<0.000000e+00> : vector<2048x16xf32>
      %dot_general3A_141 = tpu.matmul %convert_element_type3A_16, %convert_element_type3A_131, %dot_general3A_140 {dimension_numbers = #tpu.dot_dimension_numbers<[1], [1], [0], [0], [0, 0, 1, 0], [], []>, transpose_lhs_hint = false} : vector<2048x256xbf16>, vector<16x256xbf16>, vector<2048x16xf32> -> vector<2048x16xf32>
      %add3A_142 = arith.addf %add3A_139, %dot_general3A_141 : vector<2048x16xf32>
      %dot_general3A_143 = arith.constant dense<0.000000e+00> : vector<2048x16xf32>
      %dot_general3A_144 = tpu.matmul %convert_element_type3A_21, %convert_element_type3A_125, %dot_general3A_143 {dimension_numbers = #tpu.dot_dimension_numbers<[1], [1], [0], [0], [0, 0, 1, 0], [], []>, transpose_lhs_hint = false} : vector<2048x256xbf16>, vector<16x256xbf16>, vector<2048x16xf32> -> vector<2048x16xf32>
      %add3A_145 = arith.addf %add3A_142, %dot_general3A_144 : vector<2048x16xf32>
      %dot_general3A_146 = arith.constant dense<0.000000e+00> : vector<2048x16xf32>
      %dot_general3A_147 = tpu.matmul %convert_element_type3A_18, %convert_element_type3A_128, %dot_general3A_146 {dimension_numbers = #tpu.dot_dimension_numbers<[1], [1], [0], [0], [0, 0, 1, 0], [], []>, transpose_lhs_hint = false} : vector<2048x256xbf16>, vector<16x256xbf16>, vector<2048x16xf32> -> vector<2048x16xf32>
      %add3A_148 = arith.addf %add3A_145, %dot_general3A_147 : vector<2048x16xf32>
      %mul3A_149 = arith.mulf %scan3A_124, %scan3A_124 : vector<16x256xf32>
      %dot_general3A_150 = arith.constant dense<0.000000e+00> : vector<1x16xf32>
      %dot_general3A_151 = tpu.matmul %broadcast_in_dim3A_15, %mul3A_149, %dot_general3A_150 {dimension_numbers = #tpu.dot_dimension_numbers<[1], [1], [0], [0], [0, 0, 1, 0], [], []>, precision = #tpu.contract_precision<fp32>, transpose_lhs_hint = false} : vector<1x256xf32>, vector<16x256xf32>, vector<1x16xf32> -> vector<1x16xf32>
      %lt3A_152 = arith.constant 10 : i32
      %lt3A_153 = vector.broadcast %lt3A_152 : i32 to vector<1x16xi32>
      %lt3A_154 = arith.cmpi slt, %iota3A_12, %lt3A_153 : vector<1x16xi32>
      %mul3A_155 = arith.constant 2.000000e+00 : f32
      %mul3A_156 = vector.broadcast %mul3A_155 : f32 to vector<2048x16xf32>
      %mul3A_157 = arith.mulf %mul3A_156, %add3A_148 : vector<2048x16xf32>
      %sub3A_158 = vector.broadcast %dot_general3A_151 : vector<1x16xf32> to vector<2048x16xf32>
      %sub3A_159 = arith.subf %sub3A_158, %mul3A_157 : vector<2048x16xf32>
      %broadcast_in_dim3A_160 = vector.shape_cast %lt3A_154 : vector<1x16xi1> to vector<1x16xi1>
      %broadcast_in_dim3A_161 = vector.broadcast %broadcast_in_dim3A_160 : vector<1x16xi1> to vector<2048x16xi1>
      %broadcast_in_dim3A_162 = vector.broadcast %scan3A : f32 to vector<2048x16xf32>
      %select_n3A_163 = arith.select %broadcast_in_dim3A_161, %sub3A_159, %broadcast_in_dim3A_162 : vector<2048x16xi1>, vector<2048x16xf32>
      %reduce_min3A = arith.constant dense<0x7F800000> : vector<2048xf32>
      %reduce_min3A_164 = vector.multi_reduction <minimumf>, %select_n3A_163, %reduce_min3A [1] : vector<2048x16xf32> to vector<2048xf32>
      %broadcast_in_dim3A_165 = vector.shape_cast %reduce_min3A_164 : vector<2048xf32> to vector<2048x1xf32>
      %le3A = vector.broadcast %broadcast_in_dim3A_165 : vector<2048x1xf32> to vector<2048x16xf32>
      %le3A_166 = arith.cmpf ole, %select_n3A_163, %le3A : vector<2048x16xf32>
      %jit3A_167 = arith.constant 1.600000e+01 : f32
      %broadcast_in_dim3A_168 = vector.shape_cast %convert_element_type3A : vector<1x16xf32> to vector<1x16xf32>
      %broadcast_in_dim3A_169 = vector.broadcast %broadcast_in_dim3A_168 : vector<1x16xf32> to vector<2048x16xf32>
      %broadcast_in_dim3A_170 = vector.broadcast %jit3A_167 : f32 to vector<2048x16xf32>
      %select_n3A_171 = arith.select %le3A_166, %broadcast_in_dim3A_169, %broadcast_in_dim3A_170 : vector<2048x16xi1>, vector<2048x16xf32>
      %reduce_min3A_172 = arith.constant dense<0x7F800000> : vector<2048xf32>
      %reduce_min3A_173 = vector.multi_reduction <minimumf>, %select_n3A_171, %reduce_min3A_172 [1] : vector<2048x16xf32> to vector<2048xf32>
      %broadcast_in_dim3A_174 = vector.shape_cast %reduce_min3A_173 : vector<2048xf32> to vector<2048x1xf32>
      %eq3A_175 = vector.broadcast %convert_element_type3A : vector<1x16xf32> to vector<2048x16xf32>
      %eq3A_176 = vector.broadcast %broadcast_in_dim3A_174 : vector<2048x1xf32> to vector<2048x16xf32>
      %eq3A_177 = arith.cmpf oeq, %eq3A_175, %eq3A_176 : vector<2048x16xf32>
      %and3A_178 = vector.broadcast %lt3A_11 : vector<2048x1xi1> to vector<2048x16xi1>
      %and3A_179 = arith.andi %eq3A_177, %and3A_178 : vector<2048x16xi1>
      %jit3A_180 = arith.constant 1.000000e+00 : f32
      %jit3A_181 = arith.constant 0.000000e+00 : f32
      %broadcast_in_dim3A_182 = vector.broadcast %jit3A_180 : f32 to vector<2048x16xf32>
      %broadcast_in_dim3A_183 = vector.broadcast %jit3A_181 : f32 to vector<2048x16xf32>
      %select_n3A_184 = arith.select %and3A_179, %broadcast_in_dim3A_182, %broadcast_in_dim3A_183 : vector<2048x16xi1>, vector<2048x16xf32>
      %convert_element_type3A_185 = arith.truncf %select_n3A_184 : vector<2048x16xf32> to vector<2048x16xbf16>
      %dot_general3A_186 = arith.constant dense<0.000000e+00> : vector<16x256xf32>
      %dot_general3A_187 = tpu.matmul %convert_element_type3A_185, %convert_element_type3A_16, %dot_general3A_186 {dimension_numbers = #tpu.dot_dimension_numbers<[0], [0], [1], [1], [0, 1, 1, 1], [], []>, transpose_lhs_hint = false} : vector<2048x16xbf16>, vector<2048x256xbf16>, vector<16x256xf32> -> vector<16x256xf32>
      %dot_general3A_188 = arith.constant dense<0.000000e+00> : vector<16x256xf32>
      %dot_general3A_189 = tpu.matmul %convert_element_type3A_185, %convert_element_type3A_18, %dot_general3A_188 {dimension_numbers = #tpu.dot_dimension_numbers<[0], [0], [1], [1], [0, 1, 1, 1], [], []>, transpose_lhs_hint = false} : vector<2048x16xbf16>, vector<2048x256xbf16>, vector<16x256xf32> -> vector<16x256xf32>
      %add3A_190 = arith.addf %dot_general3A_187, %dot_general3A_189 : vector<16x256xf32>
      %dot_general3A_191 = arith.constant dense<0.000000e+00> : vector<16x256xf32>
      %dot_general3A_192 = tpu.matmul %convert_element_type3A_185, %convert_element_type3A_21, %dot_general3A_191 {dimension_numbers = #tpu.dot_dimension_numbers<[0], [0], [1], [1], [0, 1, 1, 1], [], []>, transpose_lhs_hint = false} : vector<2048x16xbf16>, vector<2048x256xbf16>, vector<16x256xf32> -> vector<16x256xf32>
      %add3A_193 = arith.addf %add3A_190, %dot_general3A_192 : vector<16x256xf32>
      %dot_general3A_194 = arith.constant dense<0.000000e+00> : vector<16x1xf32>
      %dot_general3A_195 = tpu.matmul %convert_element_type3A_185, %broadcast_in_dim3A_13, %dot_general3A_194 {dimension_numbers = #tpu.dot_dimension_numbers<[0], [0], [1], [1], [0, 1, 1, 1], [], []>, transpose_lhs_hint = false} : vector<2048x16xbf16>, vector<2048x1xbf16>, vector<16x1xf32> -> vector<16x1xf32>
      %max3A_196 = arith.constant 1.000000e+00 : f32
      %max3A_197 = vector.broadcast %max3A_196 : f32 to vector<16x1xf32>
      %max3A_198 = arith.maximumf %dot_general3A_195, %max3A_197 : vector<16x1xf32>
      %div3A_199 = vector.broadcast %max3A_198 : vector<16x1xf32> to vector<16x256xf32>
      %div3A_200 = arith.divf %add3A_193, %div3A_199 : vector<16x256xf32>
      scf.yield %div3A_200 : vector<16x256xf32>
    }
    %slice3A_45 = vector.extract_strided_slice %scan3A_44 {offsets = [0, 0], sizes = [1, 256], strides = [1, 1]} : vector<16x256xf32> to vector<1x256xf32>
    %sub3A_46 = vector.broadcast %slice3A_45 : vector<1x256xf32> to vector<16x256xf32>
    %sub3A_47 = arith.subf %div3A_39, %sub3A_46 : vector<16x256xf32>
    %mul3A = arith.mulf %sub3A_47, %sub3A_47 : vector<16x256xf32>
    %reduce_sum3A = arith.constant dense<0.000000e+00> : vector<16xf32>
    %reduce_sum3A_48 = vector.multi_reduction <add>, %mul3A, %reduce_sum3A [1] : vector<16x256xf32> to vector<16xf32>
    %broadcast_in_dim3A_49 = vector.shape_cast %reduce_sum3A_48 : vector<16xf32> to vector<16x1xf32>
    %slice3A_50 = vector.extract_strided_slice %scan3A_44 {offsets = [1, 0], sizes = [1, 256], strides = [1, 1]} : vector<16x256xf32> to vector<1x256xf32>
    %sub3A_51 = vector.broadcast %slice3A_50 : vector<1x256xf32> to vector<16x256xf32>
    %sub3A_52 = arith.subf %div3A_39, %sub3A_51 : vector<16x256xf32>
    %mul3A_53 = arith.mulf %sub3A_52, %sub3A_52 : vector<16x256xf32>
    %reduce_sum3A_54 = arith.constant dense<0.000000e+00> : vector<16xf32>
    %reduce_sum3A_55 = vector.multi_reduction <add>, %mul3A_53, %reduce_sum3A_54 [1] : vector<16x256xf32> to vector<16xf32>
    %broadcast_in_dim3A_56 = vector.shape_cast %reduce_sum3A_55 : vector<16xf32> to vector<16x1xf32>
    %slice3A_57 = vector.extract_strided_slice %scan3A_44 {offsets = [2, 0], sizes = [1, 256], strides = [1, 1]} : vector<16x256xf32> to vector<1x256xf32>
    %sub3A_58 = vector.broadcast %slice3A_57 : vector<1x256xf32> to vector<16x256xf32>
    %sub3A_59 = arith.subf %div3A_39, %sub3A_58 : vector<16x256xf32>
    %mul3A_60 = arith.mulf %sub3A_59, %sub3A_59 : vector<16x256xf32>
    %reduce_sum3A_61 = arith.constant dense<0.000000e+00> : vector<16xf32>
    %reduce_sum3A_62 = vector.multi_reduction <add>, %mul3A_60, %reduce_sum3A_61 [1] : vector<16x256xf32> to vector<16xf32>
    %broadcast_in_dim3A_63 = vector.shape_cast %reduce_sum3A_62 : vector<16xf32> to vector<16x1xf32>
    %slice3A_64 = vector.extract_strided_slice %scan3A_44 {offsets = [3, 0], sizes = [1, 256], strides = [1, 1]} : vector<16x256xf32> to vector<1x256xf32>
    %sub3A_65 = vector.broadcast %slice3A_64 : vector<1x256xf32> to vector<16x256xf32>
    %sub3A_66 = arith.subf %div3A_39, %sub3A_65 : vector<16x256xf32>
    %mul3A_67 = arith.mulf %sub3A_66, %sub3A_66 : vector<16x256xf32>
    %reduce_sum3A_68 = arith.constant dense<0.000000e+00> : vector<16xf32>
    %reduce_sum3A_69 = vector.multi_reduction <add>, %mul3A_67, %reduce_sum3A_68 [1] : vector<16x256xf32> to vector<16xf32>
    %broadcast_in_dim3A_70 = vector.shape_cast %reduce_sum3A_69 : vector<16xf32> to vector<16x1xf32>
    %slice3A_71 = vector.extract_strided_slice %scan3A_44 {offsets = [4, 0], sizes = [1, 256], strides = [1, 1]} : vector<16x256xf32> to vector<1x256xf32>
    %sub3A_72 = vector.broadcast %slice3A_71 : vector<1x256xf32> to vector<16x256xf32>
    %sub3A_73 = arith.subf %div3A_39, %sub3A_72 : vector<16x256xf32>
    %mul3A_74 = arith.mulf %sub3A_73, %sub3A_73 : vector<16x256xf32>
    %reduce_sum3A_75 = arith.constant dense<0.000000e+00> : vector<16xf32>
    %reduce_sum3A_76 = vector.multi_reduction <add>, %mul3A_74, %reduce_sum3A_75 [1] : vector<16x256xf32> to vector<16xf32>
    %broadcast_in_dim3A_77 = vector.shape_cast %reduce_sum3A_76 : vector<16xf32> to vector<16x1xf32>
    %slice3A_78 = vector.extract_strided_slice %scan3A_44 {offsets = [5, 0], sizes = [1, 256], strides = [1, 1]} : vector<16x256xf32> to vector<1x256xf32>
    %sub3A_79 = vector.broadcast %slice3A_78 : vector<1x256xf32> to vector<16x256xf32>
    %sub3A_80 = arith.subf %div3A_39, %sub3A_79 : vector<16x256xf32>
    %mul3A_81 = arith.mulf %sub3A_80, %sub3A_80 : vector<16x256xf32>
    %reduce_sum3A_82 = arith.constant dense<0.000000e+00> : vector<16xf32>
    %reduce_sum3A_83 = vector.multi_reduction <add>, %mul3A_81, %reduce_sum3A_82 [1] : vector<16x256xf32> to vector<16xf32>
    %broadcast_in_dim3A_84 = vector.shape_cast %reduce_sum3A_83 : vector<16xf32> to vector<16x1xf32>
    %slice3A_85 = vector.extract_strided_slice %scan3A_44 {offsets = [6, 0], sizes = [1, 256], strides = [1, 1]} : vector<16x256xf32> to vector<1x256xf32>
    %sub3A_86 = vector.broadcast %slice3A_85 : vector<1x256xf32> to vector<16x256xf32>
    %sub3A_87 = arith.subf %div3A_39, %sub3A_86 : vector<16x256xf32>
    %mul3A_88 = arith.mulf %sub3A_87, %sub3A_87 : vector<16x256xf32>
    %reduce_sum3A_89 = arith.constant dense<0.000000e+00> : vector<16xf32>
    %reduce_sum3A_90 = vector.multi_reduction <add>, %mul3A_88, %reduce_sum3A_89 [1] : vector<16x256xf32> to vector<16xf32>
    %broadcast_in_dim3A_91 = vector.shape_cast %reduce_sum3A_90 : vector<16xf32> to vector<16x1xf32>
    %slice3A_92 = vector.extract_strided_slice %scan3A_44 {offsets = [7, 0], sizes = [1, 256], strides = [1, 1]} : vector<16x256xf32> to vector<1x256xf32>
    %sub3A_93 = vector.broadcast %slice3A_92 : vector<1x256xf32> to vector<16x256xf32>
    %sub3A_94 = arith.subf %div3A_39, %sub3A_93 : vector<16x256xf32>
    %mul3A_95 = arith.mulf %sub3A_94, %sub3A_94 : vector<16x256xf32>
    %reduce_sum3A_96 = arith.constant dense<0.000000e+00> : vector<16xf32>
    %reduce_sum3A_97 = vector.multi_reduction <add>, %mul3A_95, %reduce_sum3A_96 [1] : vector<16x256xf32> to vector<16xf32>
    %broadcast_in_dim3A_98 = vector.shape_cast %reduce_sum3A_97 : vector<16xf32> to vector<16x1xf32>
    %slice3A_99 = vector.extract_strided_slice %scan3A_44 {offsets = [8, 0], sizes = [1, 256], strides = [1, 1]} : vector<16x256xf32> to vector<1x256xf32>
    %sub3A_100 = vector.broadcast %slice3A_99 : vector<1x256xf32> to vector<16x256xf32>
    %sub3A_101 = arith.subf %div3A_39, %sub3A_100 : vector<16x256xf32>
    %mul3A_102 = arith.mulf %sub3A_101, %sub3A_101 : vector<16x256xf32>
    %reduce_sum3A_103 = arith.constant dense<0.000000e+00> : vector<16xf32>
    %reduce_sum3A_104 = vector.multi_reduction <add>, %mul3A_102, %reduce_sum3A_103 [1] : vector<16x256xf32> to vector<16xf32>
    %broadcast_in_dim3A_105 = vector.shape_cast %reduce_sum3A_104 : vector<16xf32> to vector<16x1xf32>
    %slice3A_106 = vector.extract_strided_slice %scan3A_44 {offsets = [9, 0], sizes = [1, 256], strides = [1, 1]} : vector<16x256xf32> to vector<1x256xf32>
    %sub3A_107 = vector.broadcast %slice3A_106 : vector<1x256xf32> to vector<16x256xf32>
    %sub3A_108 = arith.subf %div3A_39, %sub3A_107 : vector<16x256xf32>
    %mul3A_109 = arith.mulf %sub3A_108, %sub3A_108 : vector<16x256xf32>
    %reduce_sum3A_110 = arith.constant dense<0.000000e+00> : vector<16xf32>
    %reduce_sum3A_111 = vector.multi_reduction <add>, %mul3A_109, %reduce_sum3A_110 [1] : vector<16x256xf32> to vector<16xf32>
    %broadcast_in_dim3A_112 = vector.shape_cast %reduce_sum3A_111 : vector<16xf32> to vector<16x1xf32>
    %broadcast_in_dim3A_113 = arith.constant 0.000000e+00 : f32
    %broadcast_in_dim3A_114 = vector.broadcast %broadcast_in_dim3A_113 : f32 to vector<16x6xf32>
    %concatenate3A = tpu.concatenate %broadcast_in_dim3A_49, %broadcast_in_dim3A_56, %broadcast_in_dim3A_63, %broadcast_in_dim3A_70, %broadcast_in_dim3A_77, %broadcast_in_dim3A_84, %broadcast_in_dim3A_91, %broadcast_in_dim3A_98, %broadcast_in_dim3A_105, %broadcast_in_dim3A_112, %broadcast_in_dim3A_114 in 1 : vector<16x1xf32>, vector<16x1xf32>, vector<16x1xf32>, vector<16x1xf32>, vector<16x1xf32>, vector<16x1xf32>, vector<16x1xf32>, vector<16x1xf32>, vector<16x1xf32>, vector<16x1xf32>, vector<16x6xf32> -> vector<16x16xf32>
    %add3A_115 = arith.constant 9.99999996E-13 : f32
    %add3A_116 = vector.broadcast %add3A_115 : f32 to vector<16x16xf32>
    %add3A_117 = arith.addf %concatenate3A, %add3A_116 : vector<16x16xf32>
    %sqrt3A = math.sqrt %add3A_117 : vector<16x16xf32>
    %swap3A = arith.constant 0 : index
    %swap3A_118 = arith.constant 0 : index
    %swap3A_119 = arith.constant 0 : index
    %swap3A_120 = vector.load %arg4[%swap3A, %swap3A_118, %swap3A_119] : memref<1x16x16xf32, #tpu.memory_space<vmem>>, vector<1x16x16xf32>
    %swap3A_121 = vector.shape_cast %swap3A_120 : vector<1x16x16xf32> to vector<16x16xf32>
    %swap3A_122 = vector.shape_cast %sqrt3A : vector<16x16xf32> to vector<1x16x16xf32>
    tpu.vector_store %arg4[%swap3A, %swap3A_118, %swap3A_119], %swap3A_122 {strides = array<i32>} : memref<1x16x16xf32, #tpu.memory_space<vmem>>, vector<1x16x16xf32>,
    return
  }
  func.func @transform_0(%arg0: i32, %arg1: memref<16xi32, #tpu.memory_space<smem>>) -> (i32, i32, i32) {
    %c0_i32 = arith.constant 0 : i32
    %c0_i32_0 = arith.constant 0 : i32
    %c0_i32_1 = arith.constant 0 : i32
    return %arg0, %c0_i32, %c0_i32_0 : i32, i32, i32
  }
  func.func @transform_1(%arg0: i32, %arg1: memref<16xi32, #tpu.memory_space<smem>>) -> (i32, i32, i32) {
    %c0_i32 = arith.constant 0 : i32
    %c0_i32_0 = arith.constant 0 : i32
    %c0_i32_1 = arith.constant 0 : i32
    return %arg0, %c0_i32, %c0_i32_0 : i32, i32, i32
  }
  func.func @transform_2(%arg0: i32, %arg1: memref<16xi32, #tpu.memory_space<smem>>) -> (i32, i32, i32) {
    %c0_i32 = arith.constant 0 : i32
    %c0_i32_0 = arith.constant 0 : i32
    %c0_i32_1 = arith.constant 0 : i32
    return %arg0, %c0_i32, %c0_i32_0 : i32, i32, i32
  }
}

</mosaic_0001>

<sc_bundles>
// kernel: kernel.4.cloned.1.call-start
scs
__scs_entry_jumppad:
0x0: {  	(pc) =	sbr.rel $0x88, $3  }
0x1: {  	(tag) =	ssettag $0x0;
	lr =	simm.s32 $0x1  }
0x2: {  	[smem:$0x3F9E] =	sst lr;
	_ =	strace $0xD0000000  }
0x3: {  	_ = 	snop  }
0x4: {  	_ = 	snop  }
0x5: {  	_ = 	snop  }
0x6: {  	_ = 	snop  }
0x7: {  	_ = 	snop  }
__scs_overlays_trampoline_lowered:
0x8: {  	[smem:$0x3FAD] =	sst s0  }
0x9: {  	[smem:$0x3FAE] =	sst s1  }
0xa: {  	[smem:$0x3FAF] =	sst s2  }
0xb: {  	[smem:$0x3FB0] =	sst s3  }
0xc: {  	[smem:$0x3FB1] =	sst s4  }
0xd: {  	[smem:$0x3FB2] =	sst s5  }
0xe: {  	[smem:$0x3FB3] =	sst s6  }
0xf: {  	[smem:$0x3FB4] =	sst s7  }
0x10: {  	[smem:$0x3FB5] =	sst s8  }
0x11: {  	[smem:$0x3FB6] =	sst s9;
	s0 =	simm.s32 @!p0 $0x0  }
0x12: {  	s1 =	sld [smem:$0x3F9C];
	s0 =	simm.s32 @p0 $0x1  }
0x13: {  	[smem:$0x3FB7] =	sst s0;
	s0 =	simm.s32 @!p1 $0x0  }
0x14: {  	s2 =	sld [smem:$0x3F9B];
	s0 =	simm.s32 @p1 $0x1  }
0x15: {  	[smem:$0x3FB8] =	sst s0;
	s0 =	simm.s32 @!p2 $0x0  }
0x16: {  	s3 =	sld [smem:$0x3FDB];
	s0 =	simm.s32 @p2 $0x1  }
0x17: {  	s4 =	simm.s32 $0x1BF5;
	[smem:$0x3FBA] =	sst s0  }
0x18: {  	s0 =	sld [smem:$0x3F9D];
	_ =	swait.ge [sflag:s4], $0x0  }
0x19: {  	s7 =	sld [smem:$0x3F9E]  }
0x1a: {  	s8 =	sadd.s32 $0xFFFFE003, lr  }
0x1b: {  	s9 =	sadd.s32 $0xFFFFFEF7, lr;
	s5 =	simm.s32 $0xFFFFFFFF;
	p2 =	slt.u32 s8, $0xFFFFF086  }
0x1c: {  	p1 =	slt.u32 s9, $0xF7A;
	s5 =	simm.s32 @!p2 $0x0  }
0x1d: {  	s5 =	simm.s32 @p1 $0x1;
	p0 =	seq.s32 s7, s2  }
0x1e: {  	s7 =	smul.u32 @!p0 $0xF7A, s2;
	p2 =	seq.s32 @!p0 s5, $0x0  }
0x1f: {  	s9 =	smul.u32 $0xF7A, s1;
	s8 =	simm.s32 @!p0 $0x1BF5;
	p2 =	por !p2, p0  }
0x20: {  	[sflag:s8] =	ssyncset.s32 @!p0 $0xFFFFF086;
	s6 =	sadd.s32 @!p0 s3, s7;
	s7 =	simm.s32 @!p0 $0x108  }
0x21: {  	s3 =	sadd.s32 s3, s9;
	s6 =	sadd.s32 @!p0 $0x88, s6;
	s7 =	simm.s32 @p2 $0x1082  }
0x22: {  	[simem:s7], [sflag:s8] =	dma.local @!p0 [hbm:s6], $0xF7A  }
0x23: {  	s9 =	sor.u32 $0xD0000000, s2;
	s6 =	simm.s32 $0x108;
	_ =	swait.ge @!p0 [sflag:s8], $0x0  }
0x24: {  	s3 =	sadd.s32 $0x88, s3;
	s6 =	simm.s32 @!p1 $0x1082;
	[sflag:s4] =	ssyncset.s32 $0xFFFFF086  }
0x25: {  	[simem:s6], [sflag:s4] =	dma.local [hbm:s3], $0xF7A  }
0x26: {  	[smem:$0x3F9E] =	sst s1;
	(tag) =	ssettag s2;
	_ =	strace s9  }
0x27: {  	s1 =	sld [smem:$0x3FAE]  }
0x28: {  	s2 =	sld [smem:$0x3FAF]  }
0x29: {  	s4 =	sld [smem:$0x3FB1]  }
0x2a: {  	p0 =	seq.s32 s5, $0x0;
	s5 =	sld [smem:$0x3FB2]  }
0x2b: {  	s6 =	sld [smem:$0x3FB3]  }
0x2c: {  	s7 =	sld [smem:$0x3FB4]  }
0x2d: {  	s3 =	simm.s32 $0x108;
	s8 =	sld [smem:$0x3FB5]  }
0x2e: {  	s3 =	simm.s32 @!p0 $0x1082;
	s9 =	sld [smem:$0x3FB6]  }
0x2f: {  	lr =	sadd.s32 s0, s3;
	s0 =	sld [smem:$0x3FAD]  }
0x30: {  	s3 =	sld [smem:$0x3FB0]  }
0x31: {  	[smem:$0x3FB9] =	sst s10  }
0x32: {  	s10 =	sld [smem:$0x3FB7];
	_ =	sdelay $0x3  }
0x33: {  	p0 =	seq.s32 s10, $0x1;
	s10 =	sld [smem:$0x3FB9];
	_ =	sdelay $0x3  }
0x34: {  	[smem:$0x3FB9] =	sst s10  }
0x35: {  	s10 =	sld [smem:$0x3FB8];
	_ =	sdelay $0x3  }
0x36: {  	p1 =	seq.s32 s10, $0x1;
	s10 =	sld [smem:$0x3FB9];
	_ =	sdelay $0x3  }
0x37: {  	[smem:$0x3FB9] =	sst s10  }
0x38: {  	s10 =	sld [smem:$0x3FBA]  }
0x39: {  	_ = 	snop;
	(pc) =	sbr.ind lr, $3  }
0x3a: {  	_ = 	snop  }
0x3b: {  	_ = 	snop  }
0x3c: {  	p2 =	seq.s32 s10, $0x1;
	s10 =	sld [smem:$0x3FB9]  }
0x3d: {  	_ =	shalt  }
0x3e: {  	_ =	shalt  }
0x3f: {  	_ =	shalt  }
0x40: {  	_ =	shalt  }
0x41: {  	_ =	shalt  }
0x42: {  	_ =	shalt  }
0x43: {  	_ =	shalt  }
0x44: {  	_ =	shalt  }
0x45: {  	_ =	shalt  }
0x46: {  	_ =	shalt  }
0x47: {  	_ =	shalt  }
0x48: {  	_ =	shalt  }
0x49: {  	_ =	shalt  }
0x4a: {  	_ =	shalt  }
0x4b: {  	_ =	shalt  }
0x4c: {  	_ =	shalt  }
0x4d: {  	_ =	shalt  }
0x4e: {  	_ =	shalt  }
0x4f: {  	_ =	shalt  }
0x50: {  	_ =	shalt  }
0x51: {  	_ =	shalt  }
0x52: {  	_ =	shalt  }
0x53: {  	_ =	shalt  }
0x54: {  	_ =	shalt  }
0x55: {  	_ =	shalt  }
0x56: {  	_ =	shalt  }
0x57: {  	_ =	shalt  }
0x58: {  	_ =	shalt  }
0x59: {  	_ =	shalt  }
0x5a: {  	_ =	shalt  }
0x5b: {  	_ =	shalt  }
0x5c: {  	_ =	shalt  }
0x5d: {  	_ =	shalt  }
0x5e: {  	_ =	shalt  }
0x5f: {  	_ =	shalt  }
0x60: {  	_ =	shalt  }
0x61: {  	_ =	shalt  }
0x62: {  	_ =	shalt  }
0x63: {  	_ =	shalt  }
0x64: {  	_ =	shalt  }
0x65: {  	_ =	shalt  }
0x66: {  	_ =	shalt  }
0x67: {  	_ =	shalt  }
0x68: {  	_ =	shalt  }
0x69: {  	_ =	shalt  }
0x6a: {  	_ =	shalt  }
0x6b: {  	_ =	shalt  }
0x6c: {  	_ =	shalt  }
0x6d: {  	_ =	shalt  }
0x6e: {  	_ =	shalt  }
0x6f: {  	_ =	shalt  }
0x70: {  	_ =	shalt  }
0x71: {  	_ =	shalt  }
0x72: {  	_ =	shalt  }
0x73: {  	_ =	shalt  }
0x74: {  	_ =	shalt  }
0x75: {  	_ =	shalt  }
0x76: {  	_ =	shalt  }
0x77: {  	_ =	shalt  }
0x78: {  	_ =	shalt  }
0x79: {  	_ =	shalt  }
0x7a: {  	_ =	shalt  }
0x7b: {  	_ =	shalt  }
0x7c: {  	_ =	shalt  }
0x7d: {  	_ =	shalt  }
0x7e: {  	_ =	shalt  }
0x7f: {  	_ =	shalt  }
0x80: {  	_ =	shalt  }
0x81: {  	_ =	shalt  }
0x82: {  	_ =	shalt  }
0x83: {  	_ =	shalt  }
0x84: {  	_ =	shalt  }
0x85: {  	_ =	shalt  }
0x86: {  	_ =	shalt  }
0x87: {  	_ =	shalt  }
.Lfunc_end0:
.L_simem_size_0:
called_computation_lowered:
.L_overlay_start_0:
0x88: {  	s2 =	sld [smem:$0x3FD9]  }
0x89: {  	s3 =	sld [smem:$0x3FFE];
	_ =	sdelay $0x1  }
0x8a: {  	s1 =	srdreg.scid  }
0x8b: {  	s0 =	sand.u32 $0x1, s1  }
0x8c: {  	s16 =	sshll.u32 s0, $0xA;
	s2 =	sadd.s32 s3, s2  }
0x8d: {  	s2 =	sadd.s32 s2, s16  }
0x8e: {  	[smem:$0x3FC5] =	sst s2  }
0x8f: {  	_ = 	snop  }
0x90: {  	(tm) =	ssettm $0x1  }
0x91: {  	s17 =	sld [smem:$0x3FFB];
	_ =	sdelay $0x3  }
0x92: {  	_ =	strace s17  }
0x93: {  	s2 =	sld [smem:$0x3FFC];
	_ =	sdelay $0x3  }
0x94: {  	_ =	strace s2  }
0x95: {  	s2 =	sld [smem:$0x3FFD];
	_ =	sdelay $0x3  }
0x96: {  	_ =	strace s2  }
0x97: {  	_ =	strace $0x8FFFFFFF  }
0x98: {  	s18 =	sld [smem:$0x3FDB];
	_ =	sdelay $0x1  }
0x99: {  	s19 =	simm.s32 $_scs_section_size  }
0x9a: {  	s4 =	simm.s32 $_size__tile_overlayer_lowered;
	s5 =	simm.s32 $_tile_overlayer_lowered  }
0x9b: {  	s22 =	simm.s32 $0x1BFF;
	s21 =	sshll.u32 s5, $0x1;
	s2 =	sadd.s32 s19, s18  }
0x9c: {  	s6 =	simm.s32 $0x0;
	s20 =	sshll.u32 s4, $0x1;
	s4 =	sadd.s32 s21, s2  }
0x9d: {  	[timem:s6], [sflag:s22] =	dma.local [hbm:s4], s20  }
0x9e: {  	_ =	swait.ge [sflag:s22], s20  }
0x9f: {  	s3 =	ssub.s32 $0x0, s20;
	[sflag:s22] =	ssyncset.done $0x0  }
0xa0: {  	[sflag:s22] =	ssyncadd.s32 s3;
	_ =	sdelay $0x1  }
0xa1: {  	s23 =	simm.s32 $0x1B8B  }
0xa2: {  	_ =	swait.ge [sflag:s23], $0x1  }
0xa3: {  	[sflag:s23] =	ssyncset.done $0x0  }
0xa4: {  	s25 =	simm.s32 $0x1B8E;
	s24 =	sld [smem:$0x3FFE];
	[sflag:s23] =	ssyncadd.s32 $0xFFFFFFFF  }
0xa5: {  	s26 =	simm.s32 $execute0_lowered;
	[smem:$0x3FD2] =	sst s25  }
0xa6: {  	s4 =	sshll.u32 s26, $0x1;
	_ =	strace $0x80000046;
	[dreg:$0x1] =	wrdreg $0xFFFFFFFF  }
0xa7: {  	s28 =	simm.s32 $_size_execute0_lowered;
	s2 =	sadd.s32 s2, s4;
	[dreg:$0x0] =	wrdreg $0x0  }
0xa8: {  	s4 =	sshll.u32 s28, $0x1;
	[dreg:$0x2] =	wrdreg s2  }
0xa9: {  	[dreg:$0x3] =	wrdreg s4  }
0xaa: {  	[dreg:$0x4] =	wrdreg $0xC0  }
0xab: {  	_ =	task [dreg:s6], $0x5FFFF  }
0xac: {  	[dreg:$0x1] =	wrdreg $0xFFFFFFFF  }
0xad: {  	[dreg:$0x0] =	wrdreg $0x60  }
0xae: {  	[dreg:$0x2] =	wrdreg s24  }
0xaf: {  	[dreg:$0x3] =	wrdreg $0x9  }
0xb0: {  	_ =	task.clear_ibuf [dreg:s6], $0x4FFFF;
	_ =	strace $0x90000046  }
0xb1: {  	s29 =	simm.s32 $0x9;
	_ =	strace $0x80000048  }
0xb2: {  	_ =	swait.ge [sflag:s29], $0x1  }
0xb3: {  	[sflag:s29] =	ssyncadd.s32 $0xFFFFFFFF  }
0xb4: {  	_ =	strace $0x90000048  }
0xb5: {  	_ =	sfence  }
0xb6: {  	s30 =	sld [smem:$0x0];
	_ =	sdelay $0x2  }
0xb7: {  	s31 =	sshll.u32 s1, $0xD;
	s1 =	sshrl.u32 s1, $0x2  }
0xb8: {  	s3 =	sand.u32 $0x4000, s31;
	s1 =	sadd.s32 s1, s30  }
0xb9: {  	s0 =	sor.u32 s3, s0;
	s1 =	sshll.u32 s1, $0x11  }
0xba: {  	s0 =	sor.u32 s1, s0  }
0xbb: {  	s0 =	sadd.s32 $0x8F2B, s0  }
0xbc: {  	[sflag:s0] =	ssyncadd.remote.s32 $0x1  }
0xbd: {  	_ =	sfence.sel $0xFFFF  }
0xbe: {  	[dreg:$0x0] =	wrdreg $0xFFFFFFFF;
	(pc) =	sbr.abs _section_cstart, $3  }
0xbf: {  	[dreg:$0x1] =	wrdreg $0xFFFFFFFF  }
0xc0: {  	_ =	task.clear_ibuf [dreg:s6], $0x2FFFF;
	_ =	strace $0x9FFFFFFF  }
0xc1: {  	(tm) =	ssettm $0x7FFFFFFF  }
tec
execute0_lowered:
.L_overlay_start_1:
0x0: {  	(tag) =	ssettag $0x1  }
0x1: {  	s1 =	srdreg.scid  }
0x2: {  	s1 =	sand.u32 $0x1, s1  }
0x3: {  	p0 =	seq.s32 s1, $0x1  }
.Ltmp0:
0x4: {  	_ = 	snop;
	(pc) =	sbr.rel @p0 .LBB2_12-.Ltmp0, $4  }
0x5: {  	_ = 	snop  }
0x6: {  	s4 =	rddreg [dreg:$0x0];
	s2 =	simm.s32 $0x0  }
0x7: {  	[smem:$0x7FF] =	sst s2  }
0x8: {  	s0 =	rddreg [dreg:$0x1];
	_ =	strace $0x80000047;
	s1 =	stileid.u32  }
0x9: {  	s3 =	sadd.s32 $0x400, s4;
	s5 =	sshll.u32 s1, $0x8  }
0xa: {  	s3 =	sadd.s32 s3, s5  }
0xb: {  	[tilespmem:s2], [sflag:$0x1] =	stream.linear.gather [hbm4b:s3+s2], $0x800, $0x38;
	[tilespmem:$0x880] =	vst v63  }
0xc: {  	s3 =	simm.s32 $0x1  }
0xd: {  	_ =	swait.ge [sflag:s3], $0x800  }
0xe: {  	[sflag:s3] =	ssyncset.done $0x0  }
0xf: {  	[sflag:s3] =	ssyncadd.s32 $0xFFFFF800  }
0x10: {  	v0 =	vld [tilespmem:$0x0];
	_ =	sdelay $0x4  }
0x11: {  	(v2sf) =	vpush v0, $0x0  }
0x12: {  	(v2sf) =	vpush v0, $0x1  }
0x13: {  	(v2sf) =	vpush v0, $0x2  }
0x14: {  	(v2sf) =	vpush v0, $0x3  }
0x15: {  	(v2sf) =	vpush v0, $0x4  }
0x16: {  	v1 =	vld [tilespmem:$0x80];
	(v2sf) =	vpush v0, $0x5  }
0x17: {  	(v2sf) =	vpush v0, $0x6  }
0x18: {  	(v2sf) =	vpush v0, $0x7  }
0x19: {  	(v2sf) =	vpush v0, $0x8  }
0x1a: {  	(v2sf) =	vpush v0, $0x9  }
0x1b: {  	(v2sf) =	vpush v1, $0x0  }
0x1c: {  	(v2sf) =	vpush v1, $0x1  }
0x1d: {  	(v2sf) =	vpush v1, $0x2  }
0x1e: {  	(v2sf) =	vpush v1, $0x3  }
0x1f: {  	(v2sf) =	vpush v1, $0x4  }
0x20: {  	v56 =	vld [tilespmem:$0x100];
	s30 =	spop (v2sf);
	(v2sf) =	vpush v1, $0x5  }
0x21: {  	[smem:$0x0] =	sst s30;
	s31 =	spop (v2sf);
	(v2sf) =	vpush v1, $0x6  }
0x22: {  	[smem:$0x1] =	sst s31;
	s6 =	spop (v2sf);
	(v2sf) =	vpush v1, $0x7  }
0x23: {  	[smem:$0x2] =	sst s6;
	s7 =	spop (v2sf);
	(v2sf) =	vpush v1, $0x8  }
0x24: {  	[smem:$0x3] =	sst s7;
	s8 =	spop (v2sf);
	(v2sf) =	vpush v1, $0x9  }
0x25: {  	[smem:$0x4] =	sst s8;
	s9 =	spop (v2sf);
	(v2sf) =	vpush v56, $0x0  }
0x26: {  	[smem:$0x5] =	sst s9;
	s10 =	spop (v2sf);
	(v2sf) =	vpush v56, $0x1  }
0x27: {  	[smem:$0x6] =	sst s10;
	s11 =	spop (v2sf);
	(v2sf) =	vpush v56, $0x2  }
0x28: {  	[smem:$0x7] =	sst s11;
	s12 =	spop (v2sf);
	(v2sf) =	vpush v56, $0x3  }
0x29: {  	[smem:$0x8] =	sst s12;
	s13 =	spop (v2sf);
	(v2sf) =	vpush v56, $0x4  }
0x2a: {  	v57 =	vld [tilespmem:$0x180];
	[smem:$0x9] =	sst s13;
	s14 =	spop (v2sf);
	(v2sf) =	vpush v56, $0x5  }
0x2b: {  	[smem:$0x10] =	sst s14;
	s15 =	spop (v2sf);
	(v2sf) =	vpush v56, $0x6  }
0x2c: {  	[smem:$0x11] =	sst s15;
	s16 =	spop (v2sf);
	(v2sf) =	vpush v56, $0x7  }
0x2d: {  	[smem:$0x12] =	sst s16;
	s17 =	spop (v2sf);
	(v2sf) =	vpush v56, $0x8  }
0x2e: {  	[smem:$0x13] =	sst s17;
	s18 =	spop (v2sf);
	(v2sf) =	vpush v56, $0x9  }
0x2f: {  	[smem:$0x14] =	sst s18;
	s19 =	spop (v2sf);
	(v2sf) =	vpush v57, $0x0  }
0x30: {  	[smem:$0x15] =	sst s19;
	s20 =	spop (v2sf);
	(v2sf) =	vpush v57, $0x1  }
0x31: {  	[smem:$0x16] =	sst s20;
	s21 =	spop (v2sf);
	(v2sf) =	vpush v57, $0x2  }
0x32: {  	[smem:$0x17] =	sst s21;
	s22 =	spop (v2sf);
	(v2sf) =	vpush v57, $0x3  }
0x33: {  	[smem:$0x18] =	sst s22;
	s23 =	spop (v2sf);
	(v2sf) =	vpush v57, $0x4  }
0x34: {  	v58 =	vld [tilespmem:$0x200];
	[smem:$0x19] =	sst s23;
	s24 =	spop (v2sf);
	(v2sf) =	vpush v57, $0x5  }
0x35: {  	[smem:$0x20] =	sst s24;
	s25 =	spop (v2sf);
	(v2sf) =	vpush v57, $0x6  }
0x36: {  	[smem:$0x21] =	sst s25;
	s26 =	spop (v2sf);
	(v2sf) =	vpush v57, $0x7  }
0x37: {  	[smem:$0x22] =	sst s26;
	s28 =	spop (v2sf);
	(v2sf) =	vpush v57, $0x8  }
0x38: {  	[smem:$0x23] =	sst s28;
	s29 =	spop (v2sf);
	(v2sf) =	vpush v57, $0x9  }
0x39: {  	[smem:$0x24] =	sst s29;
	s30 =	spop (v2sf);
	(v2sf) =	vpush v58, $0x0  }
0x3a: {  	[smem:$0x25] =	sst s30;
	s31 =	spop (v2sf);
	(v2sf) =	vpush v58, $0x1  }
0x3b: {  	[smem:$0x26] =	sst s31;
	s6 =	spop (v2sf);
	(v2sf) =	vpush v58, $0x2  }
0x3c: {  	[smem:$0x27] =	sst s6;
	s7 =	spop (v2sf);
	(v2sf) =	vpush v58, $0x3  }
0x3d: {  	[smem:$0x28] =	sst s7;
	s8 =	spop (v2sf);
	(v2sf) =	vpush v58, $0x4  }
0x3e: {  	v59 =	vld [tilespmem:$0x280];
	[smem:$0x29] =	sst s8;
	s9 =	spop (v2sf);
	(v2sf) =	vpush v58, $0x5  }
0x3f: {  	[smem:$0x30] =	sst s9;
	s10 =	spop (v2sf);
	(v2sf) =	vpush v58, $0x6  }
0x40: {  	[smem:$0x31] =	sst s10;
	s11 =	spop (v2sf);
	(v2sf) =	vpush v58, $0x7  }
0x41: {  	[smem:$0x32] =	sst s11;
	s12 =	spop (v2sf);
	(v2sf) =	vpush v58, $0x8  }
0x42: {  	[smem:$0x33] =	sst s12;
	s13 =	spop (v2sf);
	(v2sf) =	vpush v58, $0x9  }
0x43: {  	[smem:$0x34] =	sst s13;
	s14 =	spop (v2sf);
	(v2sf) =	vpush v59, $0x0  }
0x44: {  	[smem:$0x35] =	sst s14;
	s15 =	spop (v2sf);
	(v2sf) =	vpush v59, $0x1  }
0x45: {  	[smem:$0x36] =	sst s15;
	s16 =	spop (v2sf);
	(v2sf) =	vpush v59, $0x2  }
0x46: {  	[smem:$0x37] =	sst s16;
	s17 =	spop (v2sf);
	(v2sf) =	vpush v59, $0x3  }
0x47: {  	[smem:$0x38] =	sst s17;
	s18 =	spop (v2sf);
	(v2sf) =	vpush v59, $0x4  }
0x48: {  	v60 =	vld [tilespmem:$0x300];
	[smem:$0x39] =	sst s18;
	s19 =	spop (v2sf);
	(v2sf) =	vpush v59, $0x5  }
0x49: {  	[smem:$0x40] =	sst s19;
	s20 =	spop (v2sf);
	(v2sf) =	vpush v59, $0x6  }
0x4a: {  	[smem:$0x41] =	sst s20;
	s21 =	spop (v2sf);
	(v2sf) =	vpush v59, $0x7  }
0x4b: {  	[smem:$0x42] =	sst s21;
	s22 =	spop (v2sf);
	(v2sf) =	vpush v59, $0x8  }
0x4c: {  	[smem:$0x43] =	sst s22;
	s23 =	spop (v2sf);
	(v2sf) =	vpush v59, $0x9  }
0x4d: {  	[smem:$0x44] =	sst s23;
	s24 =	spop (v2sf);
	(v2sf) =	vpush v60, $0x0  }
0x4e: {  	[smem:$0x45] =	sst s24;
	s25 =	spop (v2sf);
	(v2sf) =	vpush v60, $0x1  }
0x4f: {  	[smem:$0x46] =	sst s25;
	s26 =	spop (v2sf);
	(v2sf) =	vpush v60, $0x2  }
0x50: {  	[smem:$0x47] =	sst s26;
	s28 =	spop (v2sf);
	(v2sf) =	vpush v60, $0x3  }
0x51: {  	[smem:$0x48] =	sst s28;
	s29 =	spop (v2sf);
	(v2sf) =	vpush v60, $0x4  }
0x52: {  	v61 =	vld [tilespmem:$0x380];
	[smem:$0x49] =	sst s29;
	s30 =	spop (v2sf);
	(v2sf) =	vpush v60, $0x5  }
0x53: {  	[smem:$0x50] =	sst s30;
	s31 =	spop (v2sf);
	(v2sf) =	vpush v60, $0x6  }
0x54: {  	[smem:$0x51] =	sst s31;
	s6 =	spop (v2sf);
	(v2sf) =	vpush v60, $0x7  }
0x55: {  	[smem:$0x52] =	sst s6;
	s7 =	spop (v2sf);
	(v2sf) =	vpush v60, $0x8  }
0x56: {  	[smem:$0x53] =	sst s7;
	s8 =	spop (v2sf);
	(v2sf) =	vpush v60, $0x9  }
0x57: {  	[smem:$0x54] =	sst s8;
	s9 =	spop (v2sf);
	(v2sf) =	vpush v61, $0x0  }
0x58: {  	[smem:$0x55] =	sst s9;
	s10 =	spop (v2sf);
	(v2sf) =	vpush v61, $0x1  }
0x59: {  	[smem:$0x56] =	sst s10;
	s11 =	spop (v2sf);
	(v2sf) =	vpush v61, $0x2  }
0x5a: {  	[smem:$0x57] =	sst s11;
	s12 =	spop (v2sf);
	(v2sf) =	vpush v61, $0x3  }
0x5b: {  	[smem:$0x58] =	sst s12;
	s13 =	spop (v2sf);
	(v2sf) =	vpush v61, $0x4  }
0x5c: {  	v62 =	vld [tilespmem:$0x400];
	[smem:$0x59] =	sst s13;
	s14 =	spop (v2sf);
	(v2sf) =	vpush v61, $0x5  }
0x5d: {  	[smem:$0x60] =	sst s14;
	s15 =	spop (v2sf);
	(v2sf) =	vpush v61, $0x6  }
0x5e: {  	[smem:$0x61] =	sst s15;
	s16 =	spop (v2sf);
	(v2sf) =	vpush v61, $0x7  }
0x5f: {  	[smem:$0x62] =	sst s16;
	s17 =	spop (v2sf);
	(v2sf) =	vpush v61, $0x8  }
0x60: {  	[smem:$0x63] =	sst s17;
	s18 =	spop (v2sf);
	(v2sf) =	vpush v61, $0x9  }
0x61: {  	[smem:$0x64] =	sst s18;
	s19 =	spop (v2sf);
	(v2sf) =	vpush v62, $0x0  }
0x62: {  	[smem:$0x65] =	sst s19;
	s20 =	spop (v2sf);
	(v2sf) =	vpush v62, $0x1  }
0x63: {  	[smem:$0x66] =	sst s20;
	s21 =	spop (v2sf);
	(v2sf) =	vpush v62, $0x2  }
0x64: {  	[smem:$0x67] =	sst s21;
	s22 =	spop (v2sf);
	(v2sf) =	vpush v62, $0x3  }
0x65: {  	[smem:$0x68] =	sst s22;
	s23 =	spop (v2sf);
	(v2sf) =	vpush v62, $0x4  }
0x66: {  	v63 =	vld [tilespmem:$0x480];
	[smem:$0x69] =	sst s23;
	s24 =	spop (v2sf);
	(v2sf) =	vpush v62, $0x5  }
0x67: {  	[smem:$0x70] =	sst s24;
	s25 =	spop (v2sf);
	(v2sf) =	vpush v62, $0x6  }
0x68: {  	[smem:$0x71] =	sst s25;
	s26 =	spop (v2sf);
	(v2sf) =	vpush v62, $0x7  }
0x69: {  	[smem:$0x72] =	sst s26;
	s28 =	spop (v2sf);
	(v2sf) =	vpush v62, $0x8  }
0x6a: {  	(v2sf) =	vpush v62, $0x9;
	[smem:$0x73] =	sst s28;
	s29 =	spop (v2sf)  }
0x6b: {  	[smem:$0x74] =	sst s29;
	s30 =	spop (v2sf);
	(v2sf) =	vpush v63, $0x0  }
0x6c: {  	[smem:$0x75] =	sst s30;
	s31 =	spop (v2sf);
	(v2sf) =	vpush v63, $0x1  }
0x6d: {  	[smem:$0x76] =	sst s31;
	s6 =	spop (v2sf);
	(v2sf) =	vpush v63, $0x2  }
0x6e: {  	[smem:$0x77] =	sst s6;
	s7 =	spop (v2sf);
	(v2sf) =	vpush v63, $0x3  }
0x6f: {  	[smem:$0x78] =	sst s7;
	s8 =	spop (v2sf);
	(v2sf) =	vpush v63, $0x4  }
0x70: {  	[smem:$0x79] =	sst s8;
	s9 =	spop (v2sf);
	(v2sf) =	vpush v63, $0x5  }
0x71: {  	[smem:$0x80] =	sst s9;
	s10 =	spop (v2sf);
	(v2sf) =	vpush v63, $0x6  }
0x72: {  	[smem:$0x81] =	sst s10;
	s11 =	spop (v2sf);
	(v2sf) =	vpush v63, $0x7  }
0x73: {  	[smem:$0x82] =	sst s11;
	s12 =	spop (v2sf);
	(v2sf) =	vpush v63, $0x8  }
0x74: {  	[smem:$0x83] =	sst s12;
	s13 =	spop (v2sf);
	(v2sf) =	vpush v63, $0x9  }
0x75: {  	[smem:$0x84] =	sst s13;
	s14 =	spop (v2sf)  }
0x76: {  	[smem:$0x85] =	sst s14;
	s15 =	spop (v2sf)  }
0x77: {  	[smem:$0x86] =	sst s15;
	s16 =	spop (v2sf)  }
0x78: {  	[smem:$0x87] =	sst s16;
	s17 =	spop (v2sf)  }
0x79: {  	[smem:$0x88] =	sst s17;
	s18 =	spop (v2sf)  }
0x7a: {  	[smem:$0x89] =	sst s18;
	s19 =	spop (v2sf)  }
0x7b: {  	[smem:$0x90] =	sst s19;
	s20 =	spop (v2sf)  }
0x7c: {  	[smem:$0x91] =	sst s20;
	s21 =	spop (v2sf)  }
0x7d: {  	[smem:$0x92] =	sst s21;
	s22 =	spop (v2sf)  }
0x7e: {  	[smem:$0x93] =	sst s22;
	s23 =	spop (v2sf)  }
0x7f: {  	[smem:$0x94] =	sst s23;
	s24 =	spop (v2sf)  }
0x80: {  	[smem:$0x95] =	sst s24;
	s25 =	spop (v2sf)  }
0x81: {  	[smem:$0x96] =	sst s25;
	s26 =	spop (v2sf)  }
0x82: {  	[smem:$0x97] =	sst s26;
	s28 =	spop (v2sf)  }
0x83: {  	[smem:$0x98] =	sst s28;
	s29 =	spop (v2sf)  }
0x84: {  	[smem:$0x99] =	sst s29  }
0x85: {  	[smem:$0x200] =	sst s2  }
0x86: {  	[smem:$0x400] =	sst s2  }
0x87: {  	[smem:$0x201] =	sst s2  }
0x88: {  	[smem:$0x401] =	sst s2  }
0x89: {  	[smem:$0x202] =	sst s2  }
0x8a: {  	[smem:$0x402] =	sst s2  }
0x8b: {  	[smem:$0x203] =	sst s2  }
0x8c: {  	[smem:$0x403] =	sst s2  }
0x8d: {  	[smem:$0x204] =	sst s2  }
0x8e: {  	[smem:$0x404] =	sst s2  }
0x8f: {  	[smem:$0x205] =	sst s2  }
0x90: {  	[smem:$0x405] =	sst s2  }
0x91: {  	[smem:$0x206] =	sst s2  }
0x92: {  	[smem:$0x406] =	sst s2  }
0x93: {  	[smem:$0x207] =	sst s2  }
0x94: {  	[smem:$0x407] =	sst s2  }
0x95: {  	[smem:$0x208] =	sst s2  }
0x96: {  	[smem:$0x408] =	sst s2  }
0x97: {  	[smem:$0x209] =	sst s2  }
0x98: {  	[smem:$0x409] =	sst s2  }
0x99: {  	[smem:$0x20A] =	sst s2  }
0x9a: {  	[smem:$0x40A] =	sst s2  }
0x9b: {  	[smem:$0x20B] =	sst s2  }
0x9c: {  	[smem:$0x40B] =	sst s2  }
0x9d: {  	[smem:$0x20C] =	sst s2  }
0x9e: {  	[smem:$0x40C] =	sst s2  }
0x9f: {  	[smem:$0x20D] =	sst s2  }
0xa0: {  	[smem:$0x40D] =	sst s2  }
0xa1: {  	[smem:$0x20E] =	sst s2  }
0xa2: {  	s30 =	sshll.u32 s1, $0x4;
	[smem:$0x40E] =	sst s2  }
0xa3: {  	s31 =	sadd.s32 s30, s4;
	[smem:$0x20F] =	sst s2  }
0xa4: {  	s5 =	simm.s32 $0x0;
	s4 =	sadd.s32 $0x1400, s31;
	[smem:$0x40F] =	sst s2  }
.LBB2_2:
0xa5: {  	s6 =	sshll.u32 s5, $0x4  }
0xa6: {  	s7 =	sand.u32 $0x3FFFFFF0, s6  }
0xa7: {  	s12 =	sadd.s32 $0x100, s6;
	[smem:s7+$0x100] =	sst s2  }
0xa8: {  	s13 =	sor.u32 $0x1, s6;
	[dreg:$0x3] =	wrdreg s12  }
0xa9: {  	s14 =	sadd.s32 $0x101, s6;
	[dreg:$0x4] =	wrdreg s13  }
0xaa: {  	s15 =	sor.u32 $0x2, s6;
	[dreg:$0x5] =	wrdreg s14  }
0xab: {  	s16 =	sadd.s32 $0x102, s6;
	[dreg:$0x6] =	wrdreg s15  }
0xac: {  	s17 =	sor.u32 $0x3, s6;
	[dreg:$0x7] =	wrdreg s16  }
0xad: {  	s18 =	sadd.s32 $0x103, s6;
	[dreg:$0x8] =	wrdreg s17  }
0xae: {  	s19 =	sor.u32 $0x4, s6;
	[dreg:$0x9] =	wrdreg s18  }
0xaf: {  	s20 =	sadd.s32 $0x104, s6;
	[dreg:$0xa] =	wrdreg s19  }
0xb0: {  	s21 =	sor.u32 $0x5, s6;
	[dreg:$0xb] =	wrdreg s20  }
0xb1: {  	s22 =	sadd.s32 $0x105, s6;
	[dreg:$0xc] =	wrdreg s21  }
0xb2: {  	s23 =	sor.u32 $0x6, s6;
	[dreg:$0xd] =	wrdreg s22  }
0xb3: {  	s24 =	sadd.s32 $0x106, s6;
	[dreg:$0xe] =	wrdreg s23  }
0xb4: {  	s25 =	sor.u32 $0x7, s6;
	[dreg:$0xf] =	wrdreg s24  }
0xb5: {  	s26 =	sadd.s32 $0x107, s6;
	[dreg:$0x10] =	wrdreg s25  }
0xb6: {  	s28 =	sor.u32 $0x8, s6;
	[dreg:$0x11] =	wrdreg s26  }
0xb7: {  	s29 =	sadd.s32 $0x108, s6;
	[dreg:$0x12] =	wrdreg s28  }
0xb8: {  	s30 =	sor.u32 $0x9, s6;
	[dreg:$0x13] =	wrdreg s29  }
0xb9: {  	s31 =	sadd.s32 $0x109, s6;
	[dreg:$0x14] =	wrdreg s30  }
0xba: {  	s8 =	sadd.s32 $0x100, s7;
	[dreg:$0x15] =	wrdreg s31  }
0xbb: {  	[dreg:$0x2] =	wrdreg s8  }
0xbc: {  	[smem:s7+$0x101] =	sst s2  }
0xbd: {  	s8 =	rddreg [dreg:$0x3]  }
0xbe: {  	[smem:s7+$0x102] =	sst s2  }
0xbf: {  	[smem:s7+$0x103] =	sst s2  }
0xc0: {  	[smem:s7+$0x104] =	sst s2  }
0xc1: {  	[smem:s7+$0x105] =	sst s2  }
0xc2: {  	[smem:s7+$0x106] =	sst s2  }
0xc3: {  	[smem:s7+$0x107] =	sst s2  }
0xc4: {  	[smem:s7+$0x108] =	sst s2  }
0xc5: {  	[smem:s7+$0x109] =	sst s2  }
0xc6: {  	[smem:s7+$0x10A] =	sst s2  }
0xc7: {  	[smem:s7+$0x10B] =	sst s2  }
0xc8: {  	[smem:s7+$0x10C] =	sst s2  }
0xc9: {  	[smem:s7+$0x10D] =	sst s2  }
0xca: {  	[smem:s7+$0x10E] =	sst s2  }
0xcb: {  	[smem:s7+$0x10F] =	sst s2;
	s7 =	simm.s32 $0x2  }
.LBB2_3:
0xcc: {  	s24 =	rddreg [dreg:$0x4]  }
0xcd: {  	p0 =	sne.s32 s7, $0x1;
	s10 =	sld [smem:s8+$0x0]  }
0xce: {  	s8 =	sld [smem:s6+$0x0];
	s9 =	simm.s32 @!p0 $0x0  }
0xcf: {  	s11 =	rddreg [dreg:$0x5];
	s9 =	simm.s32 @p0 $0x1  }
0xd0: {  	[smem:$0x7FD] =	sst s9  }
0xd1: {  	p1 =	seq.s32 s10, $0x0;
	p2 =	sgt.f32 s8, $-Inf;
	s9 =	sld [smem:s24+$0x0]  }
0xd2: {  	s25 =	sld [smem:s11+$0x0];
	s8 =	simm.s32 @!p1 $0xFF800000  }
0xd3: {  	s8 =	simm.s32 @!p2 $0xFF800000  }
0xd4: {  	s26 =	rddreg [dreg:$0x6];
	p3 =	sgt.f32 s9, s8  }
0xd5: {  	s12 =	rddreg [dreg:$0x7];
	p4 =	seq.s32 s25, $0x0  }
0xd6: {  	s10 =	sld [smem:s26+$0x0];
	p1 =	por !p3, !p4  }
0xd7: {  	s28 =	sld [smem:s12+$0x0];
	p0 =	por !p1, !p1  }
0xd8: {  	s8 =	smov.u32 @p0 s9  }
0xd9: {  	s29 =	rddreg [dreg:$0x8];
	p5 =	sgt.f32 s10, s8  }
0xda: {  	s30 =	rddreg [dreg:$0x9];
	p3 =	seq.s32 s28, $0x0  }
0xdb: {  	s9 =	sld [smem:s29+$0x0];
	p2 =	por !p5, !p3  }
0xdc: {  	s31 =	sld [smem:s30+$0x0];
	p2 =	por !p2, !p2  }
0xdd: {  	s8 =	smov.u32 @p2 s10  }
0xde: {  	s13 =	rddreg [dreg:$0xb];
	p6 =	sgt.f32 s9, s8  }
0xdf: {  	s12 =	rddreg [dreg:$0xa];
	p4 =	seq.s32 s31, $0x0  }
0xe0: {  	s10 =	sld [smem:s12+$0x0];
	p3 =	por !p6, !p4  }
0xe1: {  	s14 =	sld [smem:s13+$0x0];
	p3 =	por !p3, !p3  }
0xe2: {  	s11 =	simm.s32 @!p0 $0x0;
	s8 =	smov.u32 @p3 s9  }
0xe3: {  	s15 =	rddreg [dreg:$0xc];
	s11 =	simm.s32 @p0 $0x1;
	p0 =	sgt.f32 s10, s8  }
0xe4: {  	s16 =	rddreg [dreg:$0xd];
	p5 =	seq.s32 s14, $0x0  }
0xe5: {  	s9 =	sld [smem:s15+$0x0];
	p4 =	por !p0, !p5  }
0xe6: {  	s17 =	sld [smem:s16+$0x0];
	p4 =	por !p4, !p4  }
0xe7: {  	s8 =	smov.u32 @p4 s10  }
0xe8: {  	s18 =	rddreg [dreg:$0xe];
	p1 =	sgt.f32 s9, s8  }
0xe9: {  	s19 =	rddreg [dreg:$0xf];
	p6 =	seq.s32 s17, $0x0  }
0xea: {  	s10 =	sld [smem:s18+$0x0];
	p5 =	por !p1, !p6  }
0xeb: {  	s20 =	sld [smem:s19+$0x0];
	p5 =	por !p5, !p5  }
0xec: {  	s21 =	rddreg [dreg:$0x10];
	s8 =	smov.u32 @p5 s9  }
0xed: {  	s22 =	rddreg [dreg:$0x11];
	p0 =	sgt.f32 s10, s8  }
0xee: {  	[smem:$0x7FC] =	sst s11;
	p1 =	seq.s32 s20, $0x0  }
0xef: {  	s9 =	sld [smem:s21+$0x0];
	p0 =	por !p0, !p1  }
0xf0: {  	s12 =	sld [smem:s22+$0x0];
	p6 =	por !p0, !p0  }
0xf1: {  	s15 =	sld [smem:$0x7FC];
	s8 =	smov.u32 @p6 s10  }
0xf2: {  	s13 =	rddreg [dreg:$0x13];
	p1 =	sgt.f32 s9, s8  }
0xf3: {  	s24 =	rddreg [dreg:$0x12];
	p0 =	seq.s32 s12, $0x0  }
0xf4: {  	s14 =	simm.s32 $0x1;
	p0 =	por !p1, !p0;
	p1 =	seq.s32 s15, $0x1  }
0xf5: {  	s10 =	sld [smem:s24+$0x0];
	s14 =	simm.s32 @!p1 $0x0  }
0xf6: {  	s13 =	sld [smem:s13+$0x0];
	p1 =	por !p0, !p0;
	s14 =	simm.s32 @p2 $0x2  }
0xf7: {  	s23 =	rddreg [dreg:$0x14];
	s8 =	smov.u32 @p1 s9;
	s14 =	simm.s32 @p3 $0x3  }
0xf8: {  	s26 =	sld [smem:s23+$0x0];
	p3 =	sgt.f32 s10, s8;
	s14 =	simm.s32 @p4 $0x4  }
0xf9: {  	s25 =	rddreg [dreg:$0x15];
	p4 =	seq.s32 s13, $0x0;
	s14 =	simm.s32 @p5 $0x5  }
0xfa: {  	s28 =	sld [smem:s25+$0x0];
	p0 =	por !p3, !p4;
	s14 =	simm.s32 @p6 $0x6  }
0xfb: {  	s31 =	sld [smem:$0x7FD];
	p0 =	por !p0, !p0;
	s14 =	simm.s32 @p1 $0x7  }
0xfc: {  	s8 =	smov.u32 @p0 s10;
	s14 =	simm.s32 @p0 $0x8  }
0xfd: {  	p0 =	seq.s32 s28, $0x0;
	p1 =	sgt.f32 s26, s8;
	s8 =	smov.u32 s14  }
0xfe: {  	s8 =	simm.s32 @p0 $0x9;
	p0 =	seq.s32 s31, $0x1  }
.Ltmp1:
0xff: {  	_ = 	snop;
	(pc) =	sbr.rel @p0 .LBB2_3-.Ltmp1, $4  }
0x100: {  	_ = 	snop  }
0x101: {  	s29 =	rddreg [dreg:$0x2];
	s14 =	smov.u32 @p1 s8  }
0x102: {  	s8 =	rddreg [dreg:$0x3];
	s30 =	sadd.s32 s14, s29  }
0x103: {  	s7 =	sadd.s32 $0xFFFFFFFF, s7;
	[smem:s30] =	sst s3  }
0x104: {  	s8 =	sld [smem:s8+$0x0]  }
0x105: {  	s6 =	sld [smem:s6+$0x0]  }
0x106: {  	s7 =	rddreg [dreg:$0x4]  }
0x107: {  	s9 =	rddreg [dreg:$0x5]  }
0x108: {  	s7 =	sld [smem:s7+$0x0];
	p0 =	seq.s32 s8, $0x0;
	p1 =	sgt.f32 s6, $-Inf  }
0x109: {  	s26 =	sld [smem:s9+$0x0];
	s6 =	simm.s32 @!p0 $0xFF800000  }
0x10a: {  	s6 =	simm.s32 @!p1 $0xFF800000  }
0x10b: {  	s28 =	rddreg [dreg:$0x6];
	p1 =	sgt.f32 s7, s6  }
0x10c: {  	s10 =	rddreg [dreg:$0x7];
	p2 =	seq.s32 s26, $0x0  }
0x10d: {  	s8 =	sld [smem:s28+$0x0];
	p0 =	por !p1, !p2  }
0x10e: {  	s29 =	sld [smem:s10+$0x0];
	p0 =	por !p0, !p0  }
0x10f: {  	s6 =	smov.u32 @p0 s7  }
0x110: {  	s30 =	rddreg [dreg:$0x8];
	p3 =	sgt.f32 s8, s6  }
0x111: {  	s31 =	rddreg [dreg:$0x9];
	p2 =	seq.s32 s29, $0x0  }
0x112: {  	s7 =	sld [smem:s30+$0x0];
	p1 =	por !p3, !p2  }
0x113: {  	s11 =	sld [smem:s31+$0x0];
	p1 =	por !p1, !p1  }
0x114: {  	s6 =	smov.u32 @p1 s8  }
0x115: {  	s12 =	rddreg [dreg:$0xa];
	p4 =	sgt.f32 s7, s6  }
0x116: {  	s13 =	rddreg [dreg:$0xb];
	p3 =	seq.s32 s11, $0x0  }
0x117: {  	s8 =	sld [smem:s12+$0x0];
	p2 =	por !p4, !p3  }
0x118: {  	s14 =	sld [smem:s13+$0x0];
	p2 =	por !p2, !p2  }
0x119: {  	s6 =	smov.u32 @p2 s7  }
0x11a: {  	s15 =	rddreg [dreg:$0xc];
	p5 =	sgt.f32 s8, s6  }
0x11b: {  	s16 =	rddreg [dreg:$0xd];
	p4 =	seq.s32 s14, $0x0  }
0x11c: {  	s7 =	sld [smem:s15+$0x0];
	p3 =	por !p5, !p4  }
0x11d: {  	s17 =	sld [smem:s16+$0x0];
	p3 =	por !p3, !p3  }
0x11e: {  	s6 =	smov.u32 @p3 s8  }
0x11f: {  	s18 =	rddreg [dreg:$0xe];
	p6 =	sgt.f32 s7, s6  }
0x120: {  	s19 =	rddreg [dreg:$0xf];
	p5 =	seq.s32 s17, $0x0  }
0x121: {  	s8 =	sld [smem:s18+$0x0];
	p4 =	por !p6, !p5  }
0x122: {  	s20 =	sld [smem:s19+$0x0];
	p4 =	por !p4, !p4  }
0x123: {  	s6 =	smov.u32 @p4 s7  }
0x124: {  	s21 =	rddreg [dreg:$0x10];
	p5 =	sgt.f32 s8, s6  }
0x125: {  	s22 =	rddreg [dreg:$0x11];
	p6 =	seq.s32 s20, $0x0  }
0x126: {  	s7 =	sld [smem:s21+$0x0];
	p5 =	por !p5, !p6  }
0x127: {  	s23 =	sld [smem:s22+$0x0];
	p5 =	por !p5, !p5  }
0x128: {  	s6 =	smov.u32 @p5 s8  }
0x129: {  	s24 =	rddreg [dreg:$0x12];
	s11 =	simm.s32 $0x1;
	p6 =	sgt.f32 s7, s6  }
0x12a: {  	s25 =	rddreg [dreg:$0x13];
	s11 =	simm.s32 @!p0 $0x0;
	p0 =	seq.s32 s23, $0x0  }
0x12b: {  	s8 =	sld [smem:s24+$0x0];
	p0 =	por !p6, !p0  }
0x12c: {  	s26 =	sld [smem:s25+$0x0];
	s11 =	simm.s32 @p1 $0x2;
	p0 =	por !p0, !p0  }
0x12d: {  	s28 =	rddreg [dreg:$0x15];
	s11 =	simm.s32 @p2 $0x3;
	s6 =	smov.u32 @p0 s7  }
0x12e: {  	s30 =	sld [smem:s28+$0x0];
	s11 =	simm.s32 @p3 $0x4;
	p3 =	sgt.f32 s8, s6  }
0x12f: {  	s12 =	rddreg [dreg:$0x14];
	s11 =	simm.s32 @p4 $0x5;
	p6 =	seq.s32 s26, $0x0  }
0x130: {  	s29 =	sld [smem:s12+$0x0];
	s11 =	simm.s32 @p5 $0x6;
	p1 =	por !p3, !p6  }
0x131: {  	s11 =	simm.s32 @p0 $0x7;
	p1 =	por !p1, !p1  }
0x132: {  	s5 =	sadd.s32 $0x1, s5;
	s6 =	smov.u32 @p1 s8;
	s11 =	simm.s32 @p1 $0x8  }
0x133: {  	p0 =	seq.s32 s30, $0x0;
	p1 =	sgt.f32 s29, s6;
	s6 =	smov.u32 s11  }
0x134: {  	s6 =	simm.s32 @p0 $0x9;
	p0 =	seq.s32 s5, $0xA  }
.Ltmp2:
0x135: {  	_ = 	snop;
	(pc) =	sbr.rel @!p0 .LBB2_2-.Ltmp2, $4  }
0x136: {  	_ = 	snop  }
0x137: {  	s31 =	rddreg [dreg:$0x2];
	s11 =	smov.u32 @p1 s6  }
0x138: {  	s6 =	sadd.s32 s11, s31  }
0x139: {  	[smem:s6] =	sst s3  }
.Ltmp3:
0x13a: {  	(pc) =	sbr.rel .LBB2_6-.Ltmp3, $2  }
0x13b: {  	_ =	sdelay $0x2  }
0x13c: {  	s3 =	simm.s32 $0x1;
	s5 =	simm.s32 $0x0;
	s2 =	simm.s32 $0x0  }
.LBB2_10:
0x13d: {  	s6 =	simm.s32 $0x1;
	s3 =	sadd.s32 $0x1, s3  }
0x13e: {  	s6 =	simm.s32 @!p0 $0x0;
	p0 =	seq.s32 s3, $0xB  }
.Ltmp4:
0x13f: {  	_ = 	snop;
	(pc) =	sbr.rel @p0 .LBB2_11-.Ltmp4, $2  }
0x140: {  	_ =	sdelay $0x2  }
0x141: {  	s2 =	sadd.s32 s6, s2  }
.LBB2_6:
0x142: {  	[smem:$0x280] =	sst s5  }
0x143: {  	[smem:$0x281] =	sst s5  }
0x144: {  	[smem:$0x282] =	sst s5  }
0x145: {  	[smem:$0x283] =	sst s5  }
0x146: {  	[smem:$0x284] =	sst s5  }
0x147: {  	[smem:$0x285] =	sst s5  }
0x148: {  	[smem:$0x286] =	sst s5  }
0x149: {  	[smem:$0x287] =	sst s5  }
0x14a: {  	[smem:$0x288] =	sst s5  }
0x14b: {  	[smem:$0x289] =	sst s5  }
0x14c: {  	[smem:$0x28A] =	sst s5  }
0x14d: {  	[smem:$0x28B] =	sst s5  }
0x14e: {  	[smem:$0x28C] =	sst s5  }
.Ltmp5:
0x14f: {  	[smem:$0x28D] =	sst s5;
	(pc) =	sbr.rel .LBB2_7-.Ltmp5, $4  }
0x150: {  	[smem:$0x28E] =	sst s5  }
0x151: {  	[smem:$0x28F] =	sst s5  }
0x152: {  	p1 =	por $0x0, $0x0;
	s6 =	simm.s32 $0x80;
	[smem:$0x300] =	sst s3  }
0x153: {  	p0 =	por $0x0, $0x0;
	s7 =	simm.s32 $0x0;
	[smem:$0x380] =	sst s5  }
.LBB2_9:
0x154: {  	s6 =	sadd.s32 $0xFFFFFFFF, s6  }
0x155: {  	p3 =	sne.s32 s6, $0x0  }
.Ltmp6:
0x156: {  	_ = 	snop;
	(pc) =	sbr.rel @!p3 .LBB2_10-.Ltmp6, $2  }
0x157: {  	_ =	sdelay $0x2  }
0x158: {  	p1 =	por p2, p2  }
.LBB2_7:
.Ltmp7:
0x159: {  	(pc) =	sbr.rel @p1 .LBB2_9-.Ltmp7, $2  }
0x15a: {  	_ =	sdelay $0x2  }
0x15b: {  	p2 =	por $0x1, $0x1  }
0x15c: {  	s10 =	sld [smem:s7+$0x300]  }
0x15d: {  	s8 =	sld [smem:s7+$0x380];
	_ =	sdelay $0x2  }
0x15e: {  	p1 =	slt.s32 s8, $0x9;
	s9 =	smov.u32 s8;
	s10 =	sshll.u32 s10, $0x6  }
0x15f: {  	s9 =	simm.s32 @!p1 $0x9;
	s10 =	sshra.s32 s10, $0x2  }
0x160: {  	s10 =	sadd.s32 s9, s10;
	s11 =	sld [smem:s9+$0x280]  }
0x161: {  	s10 =	sld [smem:s10+$0xF0];
	_ =	sdelay $0x2  }
0x162: {  	p2 =	seq.s32 s11, $0x0;
	p4 =	sne.s32 s10, $0x0  }
0x163: {  	p1 =	por !p4, !p2  }
0x164: {  	p2 =	slt.s32 s8, $0xA;
	p1 =	por !p1, !p1  }
0x165: {  	p1 =	por !p2, !p1  }
0x166: {  	p3 =	por !p1, !p1  }
0x167: {  	s10 =	sld [smem:s9+$0x200];
	s11 =	simm.s32 @p3 $0x1  }
0x168: {  	[smem:s9+$0x280] =	sst s11  }
0x169: {  	s11 =	sld [smem:s7+$0x400];
	_ =	sdelay $0x2  }
0x16a: {  	s11 =	smov.u32 @p3 s9  }
0x16b: {  	[smem:s7+$0x400] =	sst s11  }
0x16c: {  	s11 =	sld [smem:$0x400];
	_ =	sdelay $0x2  }
0x16d: {  	p5 =	seq.s32 s10, $0x0;
	s12 =	sadd.s32 $0x200, s11  }
0x16e: {  	p4 =	sgt.s32 s7, $0xFFFFFFFF;
	p1 =	por !p5, !p3;
	s13 =	smov.u32 s12  }
0x16f: {  	p1 =	por !p1, !p1;
	s13 =	simm.s32 @p4 $0x300  }
0x170: {  	s12 =	smov.u32 @p1 s13  }
0x171: {  	s12 =	sld [smem:s12+$0x0];
	_ =	sdelay $0x2  }
0x172: {  	[smem:s11+$0x200] =	sst s12  }
0x173: {  	s11 =	sld [smem:$0x401];
	_ =	sdelay $0x2  }
0x174: {  	s12 =	sadd.s32 $0x200, s11  }
0x175: {  	p4 =	sgt.s32 s7, $0x0;
	s13 =	smov.u32 s12  }
0x176: {  	s13 =	simm.s32 @p4 $0x301  }
0x177: {  	s12 =	smov.u32 @p1 s13  }
0x178: {  	s12 =	sld [smem:s12+$0x0];
	_ =	sdelay $0x2  }
0x179: {  	[smem:s11+$0x200] =	sst s12  }
0x17a: {  	s11 =	sld [smem:$0x402];
	_ =	sdelay $0x2  }
0x17b: {  	s12 =	sadd.s32 $0x200, s11  }
0x17c: {  	p4 =	sgt.s32 s7, $0x1;
	s13 =	smov.u32 s12  }
0x17d: {  	s13 =	simm.s32 @p4 $0x302  }
0x17e: {  	s12 =	smov.u32 @p1 s13  }
0x17f: {  	s12 =	sld [smem:s12+$0x0];
	_ =	sdelay $0x2  }
0x180: {  	[smem:s11+$0x200] =	sst s12  }
0x181: {  	s11 =	sld [smem:$0x403];
	_ =	sdelay $0x2  }
0x182: {  	s12 =	sadd.s32 $0x200, s11  }
0x183: {  	p4 =	sgt.s32 s7, $0x2;
	s13 =	smov.u32 s12  }
0x184: {  	s13 =	simm.s32 @p4 $0x303  }
0x185: {  	s12 =	smov.u32 @p1 s13  }
0x186: {  	s12 =	sld [smem:s12+$0x0];
	_ =	sdelay $0x2  }
0x187: {  	[smem:s11+$0x200] =	sst s12  }
0x188: {  	s11 =	sld [smem:$0x404];
	_ =	sdelay $0x2  }
0x189: {  	s12 =	sadd.s32 $0x200, s11  }
0x18a: {  	p4 =	sgt.s32 s7, $0x3;
	s13 =	smov.u32 s12  }
0x18b: {  	s13 =	simm.s32 @p4 $0x304  }
0x18c: {  	s12 =	smov.u32 @p1 s13  }
0x18d: {  	s12 =	sld [smem:s12+$0x0];
	_ =	sdelay $0x2  }
0x18e: {  	[smem:s11+$0x200] =	sst s12  }
0x18f: {  	s11 =	sld [smem:$0x405];
	_ =	sdelay $0x2  }
0x190: {  	s12 =	sadd.s32 $0x200, s11  }
0x191: {  	p4 =	sgt.s32 s7, $0x4;
	s13 =	smov.u32 s12  }
0x192: {  	s13 =	simm.s32 @p4 $0x305  }
0x193: {  	s12 =	smov.u32 @p1 s13  }
0x194: {  	s12 =	sld [smem:s12+$0x0];
	_ =	sdelay $0x2  }
0x195: {  	[smem:s11+$0x200] =	sst s12  }
0x196: {  	s11 =	sld [smem:$0x406];
	_ =	sdelay $0x2  }
0x197: {  	s12 =	sadd.s32 $0x200, s11  }
0x198: {  	p4 =	sgt.s32 s7, $0x5;
	s13 =	smov.u32 s12  }
0x199: {  	s13 =	simm.s32 @p4 $0x306  }
0x19a: {  	s12 =	smov.u32 @p1 s13  }
0x19b: {  	s12 =	sld [smem:s12+$0x0];
	_ =	sdelay $0x2  }
0x19c: {  	[smem:s11+$0x200] =	sst s12  }
0x19d: {  	s11 =	sld [smem:$0x407];
	_ =	sdelay $0x2  }
0x19e: {  	s12 =	sadd.s32 $0x200, s11  }
0x19f: {  	p4 =	sgt.s32 s7, $0x6;
	s13 =	smov.u32 s12  }
0x1a0: {  	s13 =	simm.s32 @p4 $0x307  }
0x1a1: {  	s12 =	smov.u32 @p1 s13  }
0x1a2: {  	s12 =	sld [smem:s12+$0x0];
	_ =	sdelay $0x2  }
0x1a3: {  	[smem:s11+$0x200] =	sst s12  }
0x1a4: {  	s11 =	sld [smem:$0x408];
	_ =	sdelay $0x2  }
0x1a5: {  	s12 =	sadd.s32 $0x200, s11  }
0x1a6: {  	p4 =	sgt.s32 s7, $0x7;
	s13 =	smov.u32 s12  }
0x1a7: {  	s13 =	simm.s32 @p4 $0x308  }
0x1a8: {  	s12 =	smov.u32 @p1 s13  }
0x1a9: {  	s12 =	sld [smem:s12+$0x0];
	_ =	sdelay $0x2  }
0x1aa: {  	[smem:s11+$0x200] =	sst s12  }
0x1ab: {  	s11 =	sld [smem:$0x409];
	_ =	sdelay $0x2  }
0x1ac: {  	s12 =	sadd.s32 $0x200, s11  }
0x1ad: {  	p4 =	sgt.s32 s7, $0x8;
	s13 =	smov.u32 s12  }
0x1ae: {  	s13 =	simm.s32 @p4 $0x309  }
0x1af: {  	p5 =	sne.s32 s10, $0x0;
	s12 =	smov.u32 @p1 s13  }
0x1b0: {  	p5 =	por !p5, !p3;
	s12 =	sld [smem:s12+$0x0]  }
0x1b1: {  	p6 =	por !p3, !p3;
	p5 =	por !p5, !p5;
	s9 =	sadd.s32 $0x1, s9  }
0x1b2: {  	p6 =	por @!p2 p3, p3;
	p4 =	sgt.s32 s8, $0x9;
	s8 =	smov.u32 @p5 s9  }
0x1b3: {  	s8 =	smov.u32 @p6 s9;
	[smem:s11+$0x200] =	sst s12  }
0x1b4: {  	[smem:s7+$0x380] =	sst s8  }
0x1b5: {  	s8 =	sld [smem:s7+$0x301];
	_ =	sdelay $0x2  }
0x1b6: {  	s8 =	smov.u32 @p5 s10  }
0x1b7: {  	[smem:s7+$0x301] =	sst s8  }
.Ltmp8:
0x1b8: {  	s9 =	simm.s32 $0x1;
	s8 =	sld [smem:s7+$0x381];
	(pc) =	sbr.rel .LBB2_9-.Ltmp8, $4  }
0x1b9: {  	p0 =	por p0, p1;
	p6 =	seq.s32 s7, $0x0;
	s9 =	simm.s32 @!p4 $0x0  }
0x1ba: {  	p2 =	por !p6, !p4;
	s9 =	ssub.s32 s7, s9;
	s10 =	simm.s32 $0x1  }
0x1bb: {  	p2 =	por !p2, !p2;
	s10 =	simm.s32 @!p5 $0x0;
	s8 =	simm.s32 @p5 $0x0  }
0x1bc: {  	p2 =	por p2, p1;
	[smem:s7+$0x381] =	sst s8;
	s7 =	sadd.s32 s10, s9  }
.LBB2_11:
0x1bd: {  	s3 =	sld [smem:$0x200];
	_ =	sdelay $0x1  }
0x1be: {  	s6 =	sld [smem:$0x201]  }
0x1bf: {  	s5 =	sadd.s32 $0xFFFFFFFF, s3  }
0x1c0: {  	p0 =	sgt.s32 s5, $0x0  }
0x1c1: {  	s7 =	sadd.s32 $0xFFFFFFFF, s6;
	s5 =	simm.s32 @!p0 $0x0  }
0x1c2: {  	p0 =	sgt.s32 s7, $0x0;
	s5 =	sshll.u32 s5, $0x6  }
0x1c3: {  	s8 =	sld [smem:$0x202];
	s7 =	simm.s32 @!p0 $0x0;
	s5 =	sshra.s32 s5, $0x2  }
0x1c4: {  	s7 =	sshll.u32 s7, $0x6;
	s5 =	sld [smem:s5+$0x0]  }
0x1c5: {  	s15 =	sld [smem:$0x203];
	s7 =	sshra.s32 s7, $0x2  }
0x1c6: {  	s7 =	sld [smem:s7+$0x1]  }
0x1c7: {  	s5 =	sadd.f32 $0.0e+00, s5  }
0x1c8: {  	s17 =	sld [smem:$0x204];
	p0 =	sgt.s32 s3, $0x0  }
0x1c9: {  	s9 =	sadd.s32 $0xFFFFFFFF, s8;
	s5 =	simm.s32 @!p0 $0x0;
	p0 =	sgt.s32 s6, $0x0  }
0x1ca: {  	s11 =	sld [smem:$0x205];
	p1 =	sgt.s32 s9, $0x0;
	s7 =	simm.s32 @!p0 $0x0  }
0x1cb: {  	s9 =	simm.s32 @!p1 $0x0;
	s5 =	sadd.f32 s7, s5;
	s7 =	sadd.s32 $0xFFFFFFFF, s15  }
0x1cc: {  	s10 =	sadd.s32 $0xFFFFFFFF, s17;
	s16 =	sshll.u32 s9, $0x6;
	p0 =	sgt.s32 s7, $0x0  }
0x1cd: {  	p1 =	sgt.s32 s10, $0x0;
	s6 =	sshra.s32 s16, $0x2;
	s7 =	simm.s32 @!p0 $0x0  }
0x1ce: {  	s10 =	simm.s32 @!p1 $0x0;
	s6 =	sld [smem:s6+$0x2];
	s7 =	sshll.u32 s7, $0x6  }
0x1cf: {  	s18 =	sshll.u32 s10, $0x6;
	s10 =	sadd.s32 $0xFFFFFFFF, s11;
	s7 =	sshra.s32 s7, $0x2  }
0x1d0: {  	s19 =	sshra.s32 s18, $0x2;
	p0 =	sgt.s32 s8, $0x0;
	s7 =	sld [smem:s7+$0x3]  }
0x1d1: {  	s3 =	sld [smem:s19+$0x4];
	s6 =	simm.s32 @!p0 $0x0;
	p0 =	sgt.s32 s10, $0x0  }
0x1d2: {  	p1 =	sgt.s32 s15, $0x0;
	s5 =	sadd.f32 s6, s5;
	s10 =	simm.s32 @!p0 $0x0  }
0x1d3: {  	s21 =	sld [smem:$0x206];
	s20 =	sshll.u32 s10, $0x6;
	s7 =	simm.s32 @!p1 $0x0  }
0x1d4: {  	p0 =	sgt.s32 s17, $0x0;
	s6 =	sshra.s32 s20, $0x2;
	s5 =	sadd.f32 s7, s5  }
0x1d5: {  	s3 =	simm.s32 @!p0 $0x0;
	s6 =	sld [smem:s6+$0x5]  }
0x1d6: {  	s3 =	sadd.f32 s3, s5;
	s5 =	sadd.s32 $0xFFFFFFFF, s21  }
0x1d7: {  	s22 =	sld [smem:$0x207];
	p1 =	sgt.s32 s5, $0x0  }
0x1d8: {  	p0 =	sgt.s32 s11, $0x0;
	s5 =	simm.s32 @!p1 $0x0  }
0x1d9: {  	s23 =	sld [smem:$0x208];
	s6 =	simm.s32 @!p0 $0x0;
	s5 =	sshll.u32 s5, $0x6  }
0x1da: {  	s3 =	sadd.f32 s6, s3;
	s6 =	sadd.s32 $0xFFFFFFFF, s22;
	s5 =	sshra.s32 s5, $0x2  }
0x1db: {  	p0 =	sgt.s32 s6, $0x0;
	s5 =	sld [smem:s5+$0x6]  }
0x1dc: {  	s24 =	sld [smem:$0x209];
	s6 =	simm.s32 @!p0 $0x0  }
0x1dd: {  	s8 =	sadd.s32 $0xFFFFFFFF, s23;
	p0 =	sgt.s32 s21, $0x0;
	s6 =	sshll.u32 s6, $0x6  }
0x1de: {  	s6 =	sshra.s32 s6, $0x2;
	s5 =	simm.s32 @!p0 $0x0;
	p0 =	sgt.s32 s8, $0x0  }
0x1df: {  	s11 =	sadd.s32 $0xFFFFFFFF, s24;
	s6 =	sld [smem:s6+$0x7];
	s8 =	simm.s32 @!p0 $0x0  }
0x1e0: {  	p1 =	sgt.s32 s22, $0x0;
	p0 =	sgt.s32 s11, $0x0;
	s25 =	sshll.u32 s8, $0x6  }
0x1e1: {  	s3 =	sadd.f32 s5, s3;
	s11 =	simm.s32 @!p0 $0x0;
	s5 =	sshra.s32 s25, $0x2  }
0x1e2: {  	s6 =	simm.s32 @!p1 $0x0;
	s26 =	sshll.u32 s11, $0x6;
	s5 =	sld [smem:s5+$0x8]  }
0x1e3: {  	s3 =	sadd.f32 s6, s3;
	s28 =	sshra.s32 s26, $0x2  }
0x1e4: {  	p0 =	sgt.s32 s23, $0x0;
	s6 =	sld [smem:s28+$0x9]  }
0x1e5: {  	s5 =	simm.s32 @!p0 $0x0  }
0x1e6: {  	p0 =	sgt.s32 s24, $0x0;
	s3 =	sadd.f32 s5, s3  }
0x1e7: {  	s6 =	simm.s32 @!p0 $0x0  }
0x1e8: {  	p0 =	sgt.s32 s2, $0x1;
	s3 =	sadd.f32 s6, s3  }
0x1e9: {  	s2 =	simm.s32 @!p0 $0x1  }
0x1ea: {  	vm0 =	vcmask $0x300;
	s2 =	scvt.s32.f32 s2;
	v0 =	vmov s3  }
0x1eb: {  	vm15 =	vcmask $0x704;
	v0 =	vnsel vm0, $0x0, v0  }
0x1ec: {  	v0 =	vsel vm15, s2, v0  }
0x1ed: {  	s29 =	simm.s32 $0x0;
	s30 =	simm.s32 $0x800;
	s31 =	simm.s32 $0x1;
	[tilespmem:$0x800] =	vst v0  }
0x1ee: {  	[hbm4b:s4+s29] =	stream.linear.scatter [tilespmem:s30], [sflag:$0x1], $0x80, $0x38;
	[tilespmem:$0x880] =	vst v63  }
0x1ef: {  	_ =	swait.ge [sflag:s31], $0x80  }
0x1f0: {  	[sflag:s31] =	ssyncset.done $0x0  }
0x1f1: {  	[sflag:s31] =	ssyncadd.s32 $0xFFFFFF80  }
.LBB2_12:
0x1f2: {  	_ =	sfence.sel $0x180000  }
0x1f3: {  	[bflag:$0x0] =	sbarrier.arrive $0xFFFF  }
0x1f4: {  	p0 =	sne.s32 s1, $0x0;
	_ =	strace $0x90000047  }
0x1f5: {  	s0 =	sadd.s32 @!p0 $0x100000, s0;
	[bflag:$0x2] =	sbarrier.arrive $0xFFFF  }
0x1f6: {  	[sflag:s0] =	ssyncadd.tile.s32 @!p0 $0x1;
	_ =	shalt  }
.Lfunc_end2:
_tile_overlayer_lowered:
.L_overlay_start_2:
0x1f7: {  	(tag) =	ssettag $0x2  }
0x1f8: {  	s0 =	rddreg [dreg:$0x0];
	s2 =	stileid.u32  }
0x1f9: {  	s1 =	rddreg [dreg:$0x1];
	p0 =	sne.s32 s2, $0x0  }
0x1fa: {  	s3 =	rddreg [dreg:$0x2];
	[bflag:$0x3] =	sbarrier.arrive $0xFFFF;
	s2 =	simm.s32 @!p0 $0x1C01  }
0x1fb: {  	[timem:s3], [sflag:s2] =	dma.local @!p0 [hbm:s0], s1  }
0x1fc: {  	s0 =	simm.s32 @!p0 $0x1  }
0x1fd: {  	_ =	swait.ge @!p0 [sflag:s0], s1  }
0x1fe: {  	s1 =	ssub.s32 @!p0 $0x0, s1;
	[sflag:s0] =	ssyncset.done @!p0 $0x0  }
0x1ff: {  	[sflag:s0] =	ssyncadd.s32 @!p0 s1  }
0x200: {  	[bflag:$0x3] =	sbarrier.arrive $0xFFFF  }
0x201: {  	_ =	shalt  }

</sc_bundles>
